<compile_context>
chip_gen: v7x
topology: tpu7x:2x2x1
jax: 0.10.2.dev20260603
libtpu: 0.0.44.dev20260713+nightly
codegen_flags: <defaults>
</compile_context>

<pallas_src>
import functools
import math

import jax
import jax.numpy as jnp
from jax import lax
from jax.experimental import pallas as pl
from jax.experimental.pallas import tpu as pltpu
from jax.experimental.pallas import tpu_sc as plsc



_CHUNK = 80


@functools.lru_cache(maxsize=None)
def _make_gather2(n_rows, d, n_idx, dtype=jnp.float32):
  info = plsc.get_sparse_core_info()
  nc, ns = info.num_cores, info.num_subcores
  nw = nc * ns
  per_w = n_idx // nw
  assert n_idx % nw == 0 and per_w % _CHUNK == 0
  n_iter = per_w // _CHUNK
  mesh = plsc.VectorSubcoreMesh(core_axis_name="c", subcore_axis_name="s")

  @functools.partial(
      pl.kernel,
      out_type=(jax.ShapeDtypeStruct((n_idx, d), dtype),
                jax.ShapeDtypeStruct((n_idx, d), dtype)),
      mesh=mesh,
      scratch_types=[
          pltpu.VMEM((_CHUNK,), jnp.int32),
          pltpu.VMEM((_CHUNK,), jnp.int32),
          pltpu.VMEM((_CHUNK, d), dtype),
          pltpu.VMEM((_CHUNK, d), dtype),
          pltpu.SemaphoreType.DMA,
          pltpu.SemaphoreType.DMA,
          pltpu.SemaphoreType.DMA,
          pltpu.SemaphoreType.DMA,
      ],
  )
  def gather(table_hbm, idxa_hbm, idxb_hbm, outa_hbm, outb_hbm,
             ia_v, ib_v, ra_v, rb_v, sga, sgb, swa, swb):
    wid = lax.axis_index("s") * nc + lax.axis_index("c")
    base = wid * per_w

    def body(i, carry):
      off = base + i * _CHUNK
      pltpu.sync_copy(idxa_hbm.at[pl.ds(off, _CHUNK)], ia_v)
      pltpu.sync_copy(idxb_hbm.at[pl.ds(off, _CHUNK)], ib_v)
      ha = pltpu.async_copy(table_hbm.at[ia_v], ra_v, sga)
      hb = pltpu.async_copy(table_hbm.at[ib_v], rb_v, sgb)
      ha.wait()
      wa = pltpu.async_copy(ra_v, outa_hbm.at[pl.ds(off, _CHUNK)], swa)
      hb.wait()
      wb = pltpu.async_copy(rb_v, outb_hbm.at[pl.ds(off, _CHUNK)], swb)
      wa.wait()
      wb.wait()
      return carry

    lax.fori_loop(0, n_iter, body, 0)

  return gather


@functools.lru_cache(maxsize=None)
def _make_scatter_add(n_rows, d, dz, n_idx):
  info = plsc.get_sparse_core_info()
  nc, ns = info.num_cores, info.num_subcores
  per_w = n_idx // (nc * ns)
  assert n_idx % (nc * ns) == 0 and per_w % _CHUNK == 0
  n_iter = per_w // _CHUNK
  zchunks = n_rows // _CHUNK
  assert n_rows % _CHUNK == 0
  zouter = (zchunks + ns - 1) // ns
  mesh = plsc.VectorSubcoreMesh(core_axis_name="c", subcore_axis_name="s")

  @functools.partial(
      pl.kernel,
      out_type=(jax.ShapeDtypeStruct((nc, n_rows, d), jnp.float32),
                jax.ShapeDtypeStruct((nc, n_rows, dz), jnp.float32)),
      mesh=mesh,
      compiler_params=pltpu.CompilerParams(use_tc_tiling_on_sc=False),
      scratch_types=[
          pltpu.VMEM((_CHUNK,), jnp.int32),
          pltpu.VMEM((_CHUNK, d), jnp.float32),
          pltpu.VMEM((_CHUNK, dz), jnp.float32),
          pltpu.VMEM_SHARED((n_rows, d), jnp.float32),
          pltpu.VMEM_SHARED((n_rows, dz), jnp.float32),
          pltpu.SemaphoreType.DMA,
          pltpu.SemaphoreType.DMA,
          pltpu.SemaphoreType.DMA,
          pltpu.SemaphoreType.DMA,
          pltpu.SemaphoreType.DMA,
      ],
  )
  def scatter(x_hbm, e_hbm, idx_hbm, zeros_hbm, zerosz_hbm, out_hbm, outz_hbm,
              idx_v, rows_v, e_v, acc, accz, s1, s2, s3, s4, s5):
    cid = lax.axis_index("c")
    sid = lax.axis_index("s")
    wid = sid * nc + cid

    def zbody(i, carry):
      j = sid + i * ns

      @pl.when(j < zchunks)
      def _():
        pltpu.sync_copy(zeros_hbm.at[pl.ds(j * _CHUNK, _CHUNK)],
                        acc.at[pl.ds(j * _CHUNK, _CHUNK)])
        pltpu.sync_copy(zerosz_hbm.at[pl.ds(j * _CHUNK, _CHUNK)],
                        accz.at[pl.ds(j * _CHUNK, _CHUNK)])

      return carry

    lax.fori_loop(0, zouter, zbody, 0)
    plsc.subcore_barrier()

    base = wid * per_w

    def body(i, carry):
      off = base + i * _CHUNK
      h1 = pltpu.async_copy(idx_hbm.at[pl.ds(off, _CHUNK)], idx_v, s1)
      h2 = pltpu.async_copy(x_hbm.at[pl.ds(off, _CHUNK)], rows_v, s2)
      h3 = pltpu.async_copy(e_hbm.at[pl.ds(off, _CHUNK)], e_v, s3)
      h1.wait()
      h2.wait()
      h4 = pltpu.async_copy(rows_v, acc.at[idx_v], s4, add=True)
      h3.wait()
      h5 = pltpu.async_copy(e_v, accz.at[idx_v], s5, add=True)
      h4.wait()
      h5.wait()
      return carry

    lax.fori_loop(0, n_iter, body, 0)
    plsc.subcore_barrier()

    def obody(i, carry):
      j = sid + i * ns

      @pl.when(j < zchunks)
      def _():
        pltpu.sync_copy(acc.at[pl.ds(j * _CHUNK, _CHUNK)],
                        out_hbm.at[cid, pl.ds(j * _CHUNK, _CHUNK)])
        pltpu.sync_copy(accz.at[pl.ds(j * _CHUNK, _CHUNK)],
                        outz_hbm.at[cid, pl.ds(j * _CHUNK, _CHUNK)])

      return carry

    lax.fori_loop(0, zouter, obody, 0)

  return scatter



_ET = 1600
_NT = 1000


def _group_sum_mat(width, groups, group_width):
  r = lax.broadcasted_iota(jnp.int32, (width, groups), 0)
  c = lax.broadcasted_iota(jnp.int32, (width, groups), 1)
  return (r // group_width == c).astype(jnp.float32)


def _bcast_mat(groups, width, group_width):
  r = lax.broadcasted_iota(jnp.int32, (groups, width), 0)
  c = lax.broadcasted_iota(jnp.int32, (groups, width), 1)
  return (c // group_width == r).astype(jnp.float32)


def _bf(x):
  return x.astype(jnp.bfloat16)


def _edge_attn_body(scale, n_head, d_key, d_div,
                    ns, ef, nd, wt, wm, wb, ba, out, out_e):
  x = jnp.dot(_bf(ns[...]), _bf(wt[...]), preferred_element_type=jnp.float32)
  x += jnp.dot(_bf(ef[...]), _bf(wm[...]), preferred_element_type=jnp.float32)
  x += jnp.dot(_bf(nd[...]), _bf(wb[...]), preferred_element_type=jnp.float32)
  x += ba[...]
  nqk = n_head * d_key
  q = x[:, :nqk]
  k = x[:, nqk:2 * nqk]
  v = x[:, 2 * nqk:]
  prod = q * k
  gsum = _group_sum_mat(nqk, 16, d_key)
  dot = jnp.dot(prod, gsum, preferred_element_type=jnp.float32) * scale
  dot = jnp.clip(dot, -5.0, 5.0)
  head_mask = (lax.broadcasted_iota(jnp.int32, dot.shape, 1)
               < n_head).astype(jnp.float32)
  e16 = jnp.exp(dot) * head_mask
  bmat = _bcast_mat(16, n_head * d_div, d_div)
  evh = v * jnp.dot(e16, bmat, preferred_element_type=jnp.float32)
  out[...] = evh
  out_e[...] = e16


def _ln(x, g, b, eps=1e-6):
  m = jnp.mean(x, axis=-1, keepdims=True)
  c = x - m
  v = jnp.mean(c * c, axis=-1, keepdims=True)
  return c * lax.rsqrt(v + eps) * g + b


def _node_epi_body(n_head, d_div,
                   a0, a1, z0, z1, nf, wvl, bvl, ga, bba, w1, b1, gf, bf, w2,
                   b2, out):
  u = a0[...] + a1[...]
  d_out = n_head * d_div
  z = z0[...] + z1[...]
  z = jnp.where(z == 0.0, 1.0, z)
  bmat = _bcast_mat(16, d_out, d_div)
  heads = u / jnp.dot(z, bmat, preferred_element_type=jnp.float32)
  v = jnp.dot(heads, wvl[...], preferred_element_type=jnp.float32) + bvl[...]
  v = nf[...] + v
  v = _ln(v, ga[...], bba[...])
  v2 = jnp.dot(v, w1[...], preferred_element_type=jnp.float32) + b1[...] + v
  v2 = _ln(v2, gf[...], bf[...])
  v2 = v2 * jax.nn.sigmoid(v2)
  out[...] = jnp.dot(v2, w2[...], preferred_element_type=jnp.float32) + b2[...]


def _edge_epi_body(ns, ef, nd, wt, wm, wb, b3, ge, be, w4, b4, out):
  h = jnp.dot(_bf(ns[...]), _bf(wt[...]), preferred_element_type=jnp.float32)
  h += jnp.dot(_bf(ef[...]), _bf(wm[...]), preferred_element_type=jnp.float32)
  h += jnp.dot(_bf(nd[...]), _bf(wb[...]), preferred_element_type=jnp.float32)
  h += b3[...]
  h = _ln(h, ge[...], be[...])
  h = h * jax.nn.sigmoid(h)
  out[...] = jnp.dot(h, w4[...], preferred_element_type=jnp.float32) + b4[...]


def _full(shape):
  return pl.BlockSpec(shape, lambda i: (0,) * len(shape))


def _tiled(t, d):
  return pl.BlockSpec((t, d), lambda i: (i, 0))



def kernel(node_fea_in, edge_fea_in, edge_src, edge_dst, Wq, bq, Wk, bk, Wv,
           bv, W_vl, b_vl, g_a, b_a, W1, b1, g_ffn, b_ffn, W2, b2, W3, b3,
           g_e, b_e, W4, b4):
  n, d_node = node_fea_in.shape
  e, d_edge = edge_fea_in.shape
  n_head, d_cat, d_key = Wq.shape
  d_div = Wv.shape[-1]
  d_out = n_head * d_div
  d_out_edge = W4.shape[-1]
  scale = 1.0 / math.sqrt(d_cat)

  def _stack(w, lo, hi):
    return jnp.transpose(w[:, lo:hi, :], (1, 0, 2)).reshape(hi - lo, -1)

  def _part(lo, hi):
    return jnp.concatenate(
        [_stack(Wq, lo, hi), _stack(Wk, lo, hi), _stack(Wv, lo, hi)], axis=1)

  w_top = _part(0, d_node)
  w_mid = _part(d_node, d_node + d_edge)
  w_bot = _part(d_node + d_edge, d_cat)
  b_all = jnp.concatenate(
      [bq.reshape(-1), bk.reshape(-1), bv.reshape(-1)]).reshape(1, -1)
  d_proj = b_all.shape[-1]

  gather = _make_gather2(n, d_node, e)
  scatter = _make_scatter_add(n, d_out, 16, e)

  gs, gd = gather(node_fea_in, edge_src, edge_dst)

  n_et = e // _ET
  contrib, e_arr = pl.pallas_call(
      functools.partial(_edge_attn_body, scale, n_head, d_key, d_div),
      grid=(n_et,),
      in_specs=[
          _tiled(_ET, d_node), _tiled(_ET, d_edge), _tiled(_ET, d_node),
          _full((d_node, d_proj)), _full((d_edge, d_proj)),
          _full((d_node, d_proj)), _full((1, d_proj)),
      ],
      out_specs=(_tiled(_ET, d_out), _tiled(_ET, 16)),
      out_shape=(jax.ShapeDtypeStruct((e, d_out), jnp.float32),
                 jax.ShapeDtypeStruct((e, 16), jnp.float32)),
  )(gs, edge_fea_in, gd, w_top, w_mid, w_bot, b_all)

  zeros = jnp.zeros((n, d_out), jnp.float32)
  zerosz = jnp.zeros((n, 16), jnp.float32)
  acc, accz = scatter(contrib, e_arr, edge_dst, zeros, zerosz)

  row = lambda x: x.reshape(1, -1)
  n_nt = n // _NT
  new_node = pl.pallas_call(
      functools.partial(_node_epi_body, n_head, d_div),
      grid=(n_nt,),
      in_specs=[
          _tiled(_NT, d_out), _tiled(_NT, d_out),
          _tiled(_NT, 16), _tiled(_NT, 16),
          _tiled(_NT, d_node),
          _full((d_out, d_node)), _full((1, d_node)),
          _full((1, d_node)), _full((1, d_node)),
          _full((d_node, d_node)), _full((1, d_node)),
          _full((1, d_node)), _full((1, d_node)),
          _full((d_node, d_node)), _full((1, d_node)),
      ],
      out_specs=_tiled(_NT, d_node),
      out_shape=jax.ShapeDtypeStruct((n, d_node), jnp.float32),
  )(acc[0], acc[1], accz[0], accz[1], node_fea_in, W_vl, row(b_vl), row(g_a),
    row(b_a), W1, row(b1), row(g_ffn), row(b_ffn), W2, row(b2))

  hs, hd = gather(new_node, edge_src, edge_dst)

  ef_out = pl.pallas_call(
      _edge_epi_body,
      grid=(n_et,),
      in_specs=[
          _tiled(_ET, d_node), _tiled(_ET, d_edge), _tiled(_ET, d_node),
          _full((d_node, d_out_edge)), _full((d_edge, d_out_edge)),
          _full((d_node, d_out_edge)), _full((1, d_out_edge)),
          _full((1, d_out_edge)), _full((1, d_out_edge)),
          _full((d_out_edge, d_out_edge)), _full((1, d_out_edge)),
      ],
      out_specs=_tiled(_ET, d_out_edge),
      out_shape=jax.ShapeDtypeStruct((e, d_out_edge), jnp.float32),
  )(hs, edge_fea_in, hd, W3[:d_node], W3[d_node:d_node + d_edge],
    W3[d_node + d_edge:], row(b3), row(g_e), row(b_e), W4, row(b4))

  return new_node, ef_out

# --- scband reference (transcript-rebuilt; emitter-appended) ---
"""Pipeline reference for scband-graph-transformer-block-71554155151907 (READ-ONLY COPY).

The authoritative reference and input builder live on the scoring server;
editing this copy changes nothing except your own understanding.
"""

import jax, jax.numpy as jnp
import numpy as np
import math

N = 10000
E = 320000
D_NODE = 128
D_EDGE = 16
D_KEY = 64
N_HEAD = 4
D_OUT_NODE = 128
D_DIV = D_OUT_NODE // N_HEAD
D_OUT_EDGE = 16
D_CAT = D_NODE + D_EDGE + D_NODE


def _ln(x, g, b, eps=1e-6):
    m = jnp.mean(x, axis=-1, keepdims=True)
    v = jnp.var(x, axis=-1, keepdims=True)
    return (x - m) / jnp.sqrt(v + eps) * g + b


def setup_inputs(seed: int = 0) -> dict:
    key = jax.random.key(seed)
    ks = jax.random.split(key, 16)
    s = 0.05
    return {
        "node_fea_in": jax.random.normal(ks[0], (N, D_NODE), jnp.float32),
        "edge_fea_in": jax.random.normal(ks[1], (E, D_EDGE), jnp.float32),
        "edge_src": jax.random.randint(ks[2], (E,), 0, N),
        "edge_dst": jax.random.randint(ks[3], (E,), 0, N),
        "Wq": jax.random.normal(ks[4], (N_HEAD, D_CAT, D_KEY), jnp.float32) * s,
        "bq": jnp.zeros((N_HEAD, D_KEY), jnp.float32),
        "Wk": jax.random.normal(ks[5], (N_HEAD, D_CAT, D_KEY), jnp.float32) * s,
        "bk": jnp.zeros((N_HEAD, D_KEY), jnp.float32),
        "Wv": jax.random.normal(ks[6], (N_HEAD, D_CAT, D_DIV), jnp.float32) * s,
        "bv": jnp.zeros((N_HEAD, D_DIV), jnp.float32),
        "W_vl": jax.random.normal(ks[7], (N_HEAD * D_DIV, D_OUT_NODE), jnp.float32) * s,
        "b_vl": jnp.zeros((D_OUT_NODE,), jnp.float32),
        "g_a": jnp.ones((D_OUT_NODE,), jnp.float32),
        "b_a": jnp.zeros((D_OUT_NODE,), jnp.float32),
        "W1": jax.random.normal(ks[8], (D_OUT_NODE, D_OUT_NODE), jnp.float32) * s,
        "b1": jnp.zeros((D_OUT_NODE,), jnp.float32),
        "g_ffn": jnp.ones((D_OUT_NODE,), jnp.float32),
        "b_ffn": jnp.zeros((D_OUT_NODE,), jnp.float32),
        "W2": jax.random.normal(ks[9], (D_OUT_NODE, D_OUT_NODE), jnp.float32) * s,
        "b2": jnp.zeros((D_OUT_NODE,), jnp.float32),
        "W3": jax.random.normal(ks[10], (2 * D_OUT_NODE + D_EDGE, D_OUT_EDGE), jnp.float32) * s,
        "b3": jnp.zeros((D_OUT_EDGE,), jnp.float32),
        "g_e": jnp.ones((D_OUT_EDGE,), jnp.float32),
        "b_e": jnp.zeros((D_OUT_EDGE,), jnp.float32),
        "W4": jax.random.normal(ks[11], (D_OUT_EDGE, D_OUT_EDGE), jnp.float32) * s,
        "b4": jnp.zeros((D_OUT_EDGE,), jnp.float32),
    }


def reference(node_fea_in, edge_fea_in, edge_src, edge_dst, Wq, bq, Wk, bk, Wv, bv, W_vl, b_vl, g_a, b_a, W1, b1, g_ffn, b_ffn, W2, b2, W3, b3, g_e, b_e, W4, b4):
    # q = k = v = cat(node[src], edge, node[dst])
    f = jnp.concatenate([node_fea_in[edge_src], edge_fea_in, node_fea_in[edge_dst]], axis=-1)
    scale = math.sqrt(f.shape[-1])
    heads = []
    for h in range(N_HEAD):
        q = f @ Wq[h] + bq[h]
        k = f @ Wk[h] + bk[h]
        dot = jnp.sum(q * k, axis=-1, keepdims=True) / scale
        dot = jnp.clip(dot, -5.0, 5.0)
        e = jnp.exp(dot)
        z = jax.ops.segment_sum(e, edge_dst, num_segments=N)
        z = jnp.where(z == 0, 1.0, z)
        alpha = e / z[edge_dst]
        vh = f @ Wv[h] + bv[h]
        heads.append(jax.ops.segment_sum(alpha * vh, edge_dst, num_segments=N))
    v = jnp.concatenate(heads, axis=-1) @ W_vl + b_vl
    # residual: dim_node == dim_output_node so residual_convert is skipped
    v = node_fea_in + v
    v = _ln(v, g_a, b_a)
    # positionwise feed forward
    res = v
    v2 = v @ W1 + b1
    v2 = v2 + res
    v2 = _ln(v2, g_ffn, b_ffn)
    v2 = jax.nn.silu(v2)
    v2 = v2 @ W2 + b2
    new_node = v2
    ef = jnp.concatenate([new_node[edge_src], edge_fea_in, new_node[edge_dst]], axis=-1)
    ef = ef @ W3 + b3
    ef = _ln(ef, g_e, b_e)
    ef = jax.nn.silu(ef)
    ef = ef @ W4 + b4
    return (new_node, ef)

if __name__ == "__main__":
    import jax
    _d = setup_inputs()
    print(jax.jit(kernel)(*tuple(_d.values())))

</pallas_src>

<mosaic_0001>
#map = affine_map<(d0, d1) -> (0, 0)>
#map1 = affine_map<(d0, d1) -> (0)>
#map2 = affine_map<(d0, d1) -> (0, 0, 0)>
module attributes {stable_mosaic.version = 14 : i64} {
  func.func @scatter(%arg0: i32, %arg1: i32, %arg2: memref<320000x128xf32, #tpu.memory_space<hbm>>, %arg3: memref<320000x16xf32, #tpu.memory_space<hbm>>, %arg4: memref<320000xi32, #tpu.memory_space<hbm>>, %arg5: memref<10000x128xf32, #tpu.memory_space<hbm>>, %arg6: memref<10000x16xf32, #tpu.memory_space<hbm>>, %arg7: memref<2x10000x128xf32, #tpu.memory_space<hbm>>, %arg8: memref<2x10000x16xf32, #tpu.memory_space<hbm>>, %arg9: memref<80xi32, #tpu.memory_space<vmem>>, %arg10: memref<80x128xf32, #tpu.memory_space<vmem>>, %arg11: memref<80x16xf32, #tpu.memory_space<vmem>>, %arg12: memref<10000x128xf32, #tpu.memory_space<vmem_shared>>, %arg13: memref<10000x16xf32, #tpu.memory_space<vmem_shared>>, %arg14: memref<!tpu.dma_semaphore, #tpu.memory_space<semaphore_mem>>, %arg15: memref<!tpu.dma_semaphore, #tpu.memory_space<semaphore_mem>>, %arg16: memref<!tpu.dma_semaphore, #tpu.memory_space<semaphore_mem>>, %arg17: memref<!tpu.dma_semaphore, #tpu.memory_space<semaphore_mem>>, %arg18: memref<!tpu.dma_semaphore, #tpu.memory_space<semaphore_mem>>) attributes {dimension_semantics = [#tpu.dimension_semantics<core_parallel>, #tpu.dimension_semantics<subcore_parallel>], iteration_bounds = array<i64: 2, 16>, scalar_prefetch = 0 : i64, scratch_operands = 10 : i64, tpu.core_type = #tpu.core_type<sc_vector_subcore>, window_params = [{transform_indices = #map}, {transform_indices = #map}, {transform_indices = #map1}, {transform_indices = #map}, {transform_indices = #map}, {transform_indices = #map2}, {transform_indices = #map2}]} {
    %mul3A = arith.constant 2 : i32
    %mul3A_0 = arith.muli %arg1, %mul3A : i32
    %add3A = arith.addi %mul3A_0, %arg0 : i32
    %scan3A = arith.constant 0 : i32
    %scan3A_1 = arith.constant 0 : i32
    %scan3A_2 = arith.constant 8 : i32
    %scan3A_3 = arith.addi %scan3A_1, %scan3A_2 : i32
    %scan3A_4 = arith.constant 1 : i32
    scf.for %scan3A_21 = %scan3A_1 to %scan3A_3 step %scan3A_4  : i32 {
      %mul3A_22 = arith.constant 16 : i32
      %mul3A_23 = arith.muli %scan3A_21, %mul3A_22 : i32
      %add3A_24 = arith.addi %arg1, %mul3A_23 : i32
      %lt3A = arith.constant 125 : i32
      %lt3A_25 = arith.cmpi slt, %add3A_24, %lt3A : i32
      %convert_element_type3A = arith.extui %lt3A_25 : i1 to i32
      %cond3A = arith.constant 0 : i32
      %cond3A_26 = arith.cmpi ne, %convert_element_type3A, %cond3A : i32
      scf.if %cond3A_26 {
        %mul3A_27 = arith.constant 80 : i32
        %mul3A_28 = arith.muli %add3A_24, %mul3A_27 : i32
        %mul3A_29 = arith.constant 80 : i32
        %mul3A_30 = arith.muli %add3A_24, %mul3A_29 : i32
        "tpu.region"() ({
          %run_scoped3A = tpu.sem_alloc : memref<!tpu.dma_semaphore, #tpu.memory_space<semaphore_mem>>
          %dma_start3A = arith.constant 0 : i32
          %dma_start3A_35 = tpu.memref_slice %arg12[%mul3A_30, %dma_start3A] : memref<10000x128xf32, #tpu.memory_space<vmem_shared>> -> memref<80x128xf32, #tpu.memory_space<vmem_shared>>
          %dma_start3A_36 = arith.constant 0 : i32
          %dma_start3A_37 = tpu.memref_slice %arg5[%mul3A_28, %dma_start3A_36] : memref<10000x128xf32, #tpu.memory_space<hbm>> -> memref<80x128xf32, #tpu.memory_space<hbm>>
          tpu.enqueue_dma source(%dma_start3A_37 : memref<80x128xf32, #tpu.memory_space<hbm>>) target(%dma_start3A_35 : memref<80x128xf32, #tpu.memory_space<vmem_shared>>) target_semaphore(%run_scoped3A : memref<!tpu.dma_semaphore, #tpu.memory_space<semaphore_mem>>)
          %dma_wait3A = arith.constant 0 : i32
          %dma_wait3A_38 = tpu.memref_slice %arg12[%mul3A_30, %dma_wait3A] : memref<10000x128xf32, #tpu.memory_space<vmem_shared>> -> memref<80x128xf32, #tpu.memory_space<vmem_shared>>
          %dma_wait3A_39 = arith.constant 0 : i32
          %dma_wait3A_40 = tpu.memref_slice %arg5[%mul3A_28, %dma_wait3A_39] : memref<10000x128xf32, #tpu.memory_space<hbm>> -> memref<80x128xf32, #tpu.memory_space<hbm>>
          tpu.wait_dma2 semaphore(%run_scoped3A : memref<!tpu.dma_semaphore, #tpu.memory_space<semaphore_mem>>) src(%dma_wait3A_40 : memref<80x128xf32, #tpu.memory_space<hbm>>) dst(%dma_wait3A_38 : memref<80x128xf32, #tpu.memory_space<vmem_shared>>)
          tpu.yield
        }) : () -> ()
        %mul3A_31 = arith.constant 80 : i32
        %mul3A_32 = arith.muli %add3A_24, %mul3A_31 : i32
        %mul3A_33 = arith.constant 80 : i32
        %mul3A_34 = arith.muli %add3A_24, %mul3A_33 : i32
        "tpu.region"() ({
          %run_scoped3A = tpu.sem_alloc : memref<!tpu.dma_semaphore, #tpu.memory_space<semaphore_mem>>
          %dma_start3A = arith.constant 0 : i32
          %dma_start3A_35 = tpu.memref_slice %arg13[%mul3A_34, %dma_start3A] : memref<10000x16xf32, #tpu.memory_space<vmem_shared>> -> memref<80x16xf32, #tpu.memory_space<vmem_shared>>
          %dma_start3A_36 = arith.constant 0 : i32
          %dma_start3A_37 = tpu.memref_slice %arg6[%mul3A_32, %dma_start3A_36] : memref<10000x16xf32, #tpu.memory_space<hbm>> -> memref<80x16xf32, #tpu.memory_space<hbm>>
          tpu.enqueue_dma source(%dma_start3A_37 : memref<80x16xf32, #tpu.memory_space<hbm>>) target(%dma_start3A_35 : memref<80x16xf32, #tpu.memory_space<vmem_shared>>) target_semaphore(%run_scoped3A : memref<!tpu.dma_semaphore, #tpu.memory_space<semaphore_mem>>)
          %dma_wait3A = arith.constant 0 : i32
          %dma_wait3A_38 = tpu.memref_slice %arg13[%mul3A_34, %dma_wait3A] : memref<10000x16xf32, #tpu.memory_space<vmem_shared>> -> memref<80x16xf32, #tpu.memory_space<vmem_shared>>
          %dma_wait3A_39 = arith.constant 0 : i32
          %dma_wait3A_40 = tpu.memref_slice %arg6[%mul3A_32, %dma_wait3A_39] : memref<10000x16xf32, #tpu.memory_space<hbm>> -> memref<80x16xf32, #tpu.memory_space<hbm>>
          tpu.wait_dma2 semaphore(%run_scoped3A : memref<!tpu.dma_semaphore, #tpu.memory_space<semaphore_mem>>) src(%dma_wait3A_40 : memref<80x16xf32, #tpu.memory_space<hbm>>) dst(%dma_wait3A_38 : memref<80x16xf32, #tpu.memory_space<vmem_shared>>)
          tpu.yield
        }) : () -> ()
      } else {
      }
    }
    %scan3A_5 = arith.constant 8 : i32
    %barrier3A = arith.constant 0 : index
    tpu.barrier barrier_id(%barrier3A)
    %mul3A_6 = arith.constant 10000 : i32
    %mul3A_7 = arith.muli %add3A, %mul3A_6 : i32
    %scan3A_8 = arith.constant 0 : i32
    %scan3A_9 = arith.constant 0 : i32
    %scan3A_10 = arith.constant 125 : i32
    %scan3A_11 = arith.addi %scan3A_9, %scan3A_10 : i32
    %scan3A_12 = arith.constant 1 : i32
    scf.for %scan3A_21 = %scan3A_9 to %scan3A_11 step %scan3A_12  : i32 {
      %mul3A_22 = arith.constant 80 : i32
      %mul3A_23 = arith.muli %scan3A_21, %mul3A_22 : i32
      %add3A_24 = arith.addi %mul3A_7, %mul3A_23 : i32
      %dma_start3A = tpu.memref_slice %arg4[%add3A_24] : memref<320000xi32, #tpu.memory_space<hbm>> -> memref<80xi32, #tpu.memory_space<hbm>>
      %dma_start3A_25 = tpu.memref_slice %arg4[%add3A_24] : memref<320000xi32, #tpu.memory_space<hbm>> -> memref<80xi32, #tpu.memory_space<hbm>>
      tpu.enqueue_dma source(%dma_start3A_25 : memref<80xi32, #tpu.memory_space<hbm>>) target(%arg9 : memref<80xi32, #tpu.memory_space<vmem>>) target_semaphore(%arg14 : memref<!tpu.dma_semaphore, #tpu.memory_space<semaphore_mem>>)
      %dma_start3A_26 = arith.constant 0 : i32
      %dma_start3A_27 = tpu.memref_slice %arg2[%add3A_24, %dma_start3A_26] : memref<320000x128xf32, #tpu.memory_space<hbm>> -> memref<80x128xf32, #tpu.memory_space<hbm>>
      %dma_start3A_28 = arith.constant 0 : i32
      %dma_start3A_29 = tpu.memref_slice %arg2[%add3A_24, %dma_start3A_28] : memref<320000x128xf32, #tpu.memory_space<hbm>> -> memref<80x128xf32, #tpu.memory_space<hbm>>
      tpu.enqueue_dma source(%dma_start3A_29 : memref<80x128xf32, #tpu.memory_space<hbm>>) target(%arg10 : memref<80x128xf32, #tpu.memory_space<vmem>>) target_semaphore(%arg15 : memref<!tpu.dma_semaphore, #tpu.memory_space<semaphore_mem>>)
      %dma_start3A_30 = arith.constant 0 : i32
      %dma_start3A_31 = tpu.memref_slice %arg3[%add3A_24, %dma_start3A_30] : memref<320000x16xf32, #tpu.memory_space<hbm>> -> memref<80x16xf32, #tpu.memory_space<hbm>>
      %dma_start3A_32 = arith.constant 0 : i32
      %dma_start3A_33 = tpu.memref_slice %arg3[%add3A_24, %dma_start3A_32] : memref<320000x16xf32, #tpu.memory_space<hbm>> -> memref<80x16xf32, #tpu.memory_space<hbm>>
      tpu.enqueue_dma source(%dma_start3A_33 : memref<80x16xf32, #tpu.memory_space<hbm>>) target(%arg11 : memref<80x16xf32, #tpu.memory_space<vmem>>) target_semaphore(%arg16 : memref<!tpu.dma_semaphore, #tpu.memory_space<semaphore_mem>>)
      %dma_wait3A = tpu.memref_slice %arg4[%add3A_24] : memref<320000xi32, #tpu.memory_space<hbm>> -> memref<80xi32, #tpu.memory_space<hbm>>
      %dma_wait3A_34 = tpu.memref_slice %arg4[%add3A_24] : memref<320000xi32, #tpu.memory_space<hbm>> -> memref<80xi32, #tpu.memory_space<hbm>>
      tpu.wait_dma2 semaphore(%arg14 : memref<!tpu.dma_semaphore, #tpu.memory_space<semaphore_mem>>) src(%dma_wait3A_34 : memref<80xi32, #tpu.memory_space<hbm>>) dst(%arg9 : memref<80xi32, #tpu.memory_space<vmem>>)
      %dma_wait3A_35 = arith.constant 0 : i32
      %dma_wait3A_36 = tpu.memref_slice %arg2[%add3A_24, %dma_wait3A_35] : memref<320000x128xf32, #tpu.memory_space<hbm>> -> memref<80x128xf32, #tpu.memory_space<hbm>>
      %dma_wait3A_37 = arith.constant 0 : i32
      %dma_wait3A_38 = tpu.memref_slice %arg2[%add3A_24, %dma_wait3A_37] : memref<320000x128xf32, #tpu.memory_space<hbm>> -> memref<80x128xf32, #tpu.memory_space<hbm>>
      tpu.wait_dma2 semaphore(%arg15 : memref<!tpu.dma_semaphore, #tpu.memory_space<semaphore_mem>>) src(%dma_wait3A_38 : memref<80x128xf32, #tpu.memory_space<hbm>>) dst(%arg10 : memref<80x128xf32, #tpu.memory_space<vmem>>)
      %dma_start3A_39 = arith.constant 0 : i32
      %dma_start3A_40 = arith.constant 0 : i32
      %dma_start3A_41 = tpu.memref_slice %arg12[%dma_start3A_39, %dma_start3A_40] : memref<10000x128xf32, #tpu.memory_space<vmem_shared>> -> memref<10000x128xf32, #tpu.memory_space<vmem_shared>>
      tpu.enqueue_indirect_dma source(%arg10 : memref<80x128xf32, #tpu.memory_space<vmem>>) target(%dma_start3A_41 : memref<10000x128xf32, #tpu.memory_space<vmem_shared>>) offsets(%arg9 : memref<80xi32, #tpu.memory_space<vmem>>) semaphore(%arg17 : memref<!tpu.dma_semaphore, #tpu.memory_space<semaphore_mem>>) {add = true}
      %dma_wait3A_42 = arith.constant 0 : i32
      %dma_wait3A_43 = tpu.memref_slice %arg3[%add3A_24, %dma_wait3A_42] : memref<320000x16xf32, #tpu.memory_space<hbm>> -> memref<80x16xf32, #tpu.memory_space<hbm>>
      %dma_wait3A_44 = arith.constant 0 : i32
      %dma_wait3A_45 = tpu.memref_slice %arg3[%add3A_24, %dma_wait3A_44] : memref<320000x16xf32, #tpu.memory_space<hbm>> -> memref<80x16xf32, #tpu.memory_space<hbm>>
      tpu.wait_dma2 semaphore(%arg16 : memref<!tpu.dma_semaphore, #tpu.memory_space<semaphore_mem>>) src(%dma_wait3A_45 : memref<80x16xf32, #tpu.memory_space<hbm>>) dst(%arg11 : memref<80x16xf32, #tpu.memory_space<vmem>>)
      %dma_start3A_46 = arith.constant 0 : i32
      %dma_start3A_47 = arith.constant 0 : i32
      %dma_start3A_48 = tpu.memref_slice %arg13[%dma_start3A_46, %dma_start3A_47] : memref<10000x16xf32, #tpu.memory_space<vmem_shared>> -> memref<10000x16xf32, #tpu.memory_space<vmem_shared>>
      tpu.enqueue_indirect_dma source(%arg11 : memref<80x16xf32, #tpu.memory_space<vmem>>) target(%dma_start3A_48 : memref<10000x16xf32, #tpu.memory_space<vmem_shared>>) offsets(%arg9 : memref<80xi32, #tpu.memory_space<vmem>>) semaphore(%arg18 : memref<!tpu.dma_semaphore, #tpu.memory_space<semaphore_mem>>) {add = true}
      %dma_wait3A_49 = arith.constant 0 : i32
      %dma_wait3A_50 = arith.constant 0 : i32
      %dma_wait3A_51 = tpu.memref_slice %arg12[%dma_wait3A_49, %dma_wait3A_50] : memref<10000x128xf32, #tpu.memory_space<vmem_shared>> -> memref<10000x128xf32, #tpu.memory_space<vmem_shared>>
      tpu.wait_indirect_dma semaphore(%arg17 : memref<!tpu.dma_semaphore, #tpu.memory_space<semaphore_mem>>) src(%arg10 : memref<80x128xf32, #tpu.memory_space<vmem>>) dst(%dma_wait3A_51 : memref<10000x128xf32, #tpu.memory_space<vmem_shared>>)
      %dma_wait3A_52 = arith.constant 0 : i32
      %dma_wait3A_53 = arith.constant 0 : i32
      %dma_wait3A_54 = tpu.memref_slice %arg13[%dma_wait3A_52, %dma_wait3A_53] : memref<10000x16xf32, #tpu.memory_space<vmem_shared>> -> memref<10000x16xf32, #tpu.memory_space<vmem_shared>>
      tpu.wait_indirect_dma semaphore(%arg18 : memref<!tpu.dma_semaphore, #tpu.memory_space<semaphore_mem>>) src(%arg11 : memref<80x16xf32, #tpu.memory_space<vmem>>) dst(%dma_wait3A_54 : memref<10000x16xf32, #tpu.memory_space<vmem_shared>>)
    }
    %scan3A_13 = arith.constant 125 : i32
    %barrier3A_14 = arith.constant 0 : index
    tpu.barrier barrier_id(%barrier3A_14)
    %scan3A_15 = arith.constant 0 : i32
    %scan3A_16 = arith.constant 0 : i32
    %scan3A_17 = arith.constant 8 : i32
    %scan3A_18 = arith.addi %scan3A_16, %scan3A_17 : i32
    %scan3A_19 = arith.constant 1 : i32
    scf.for %scan3A_21 = %scan3A_16 to %scan3A_18 step %scan3A_19  : i32 {
      %mul3A_22 = arith.constant 16 : i32
      %mul3A_23 = arith.muli %scan3A_21, %mul3A_22 : i32
      %add3A_24 = arith.addi %arg1, %mul3A_23 : i32
      %lt3A = arith.constant 125 : i32
      %lt3A_25 = arith.cmpi slt, %add3A_24, %lt3A : i32
      %convert_element_type3A = arith.extui %lt3A_25 : i1 to i32
      %cond3A = arith.constant 0 : i32
      %cond3A_26 = arith.cmpi ne, %convert_element_type3A, %cond3A : i32
      scf.if %cond3A_26 {
        %mul3A_27 = arith.constant 80 : i32
        %mul3A_28 = arith.muli %add3A_24, %mul3A_27 : i32
        %mul3A_29 = arith.constant 80 : i32
        %mul3A_30 = arith.muli %add3A_24, %mul3A_29 : i32
        "tpu.region"() ({
          %run_scoped3A = tpu.sem_alloc : memref<!tpu.dma_semaphore, #tpu.memory_space<semaphore_mem>>
          %dma_start3A = arith.constant 0 : i32
          %dma_start3A_35 = tpu.memref_slice %arg7[%arg0, %mul3A_30, %dma_start3A] : memref<2x10000x128xf32, #tpu.memory_space<hbm>> -> memref<1x80x128xf32, #tpu.memory_space<hbm>>
          %dma_start3A_36 = tpu.memref_squeeze %dma_start3A_35 : memref<1x80x128xf32, #tpu.memory_space<hbm>> -> memref<80x128xf32, #tpu.memory_space<hbm>>
          %dma_start3A_37 = arith.constant 0 : i32
          %dma_start3A_38 = tpu.memref_slice %arg12[%mul3A_28, %dma_start3A_37] : memref<10000x128xf32, #tpu.memory_space<vmem_shared>> -> memref<80x128xf32, #tpu.memory_space<vmem_shared>>
          tpu.enqueue_dma source(%dma_start3A_38 : memref<80x128xf32, #tpu.memory_space<vmem_shared>>) target(%dma_start3A_36 : memref<80x128xf32, #tpu.memory_space<hbm>>) target_semaphore(%run_scoped3A : memref<!tpu.dma_semaphore, #tpu.memory_space<semaphore_mem>>)
          %dma_wait3A = arith.constant 0 : i32
          %dma_wait3A_39 = tpu.memref_slice %arg7[%arg0, %mul3A_30, %dma_wait3A] : memref<2x10000x128xf32, #tpu.memory_space<hbm>> -> memref<1x80x128xf32, #tpu.memory_space<hbm>>
          %dma_wait3A_40 = tpu.memref_squeeze %dma_wait3A_39 : memref<1x80x128xf32, #tpu.memory_space<hbm>> -> memref<80x128xf32, #tpu.memory_space<hbm>>
          %dma_wait3A_41 = arith.constant 0 : i32
          %dma_wait3A_42 = tpu.memref_slice %arg12[%mul3A_28, %dma_wait3A_41] : memref<10000x128xf32, #tpu.memory_space<vmem_shared>> -> memref<80x128xf32, #tpu.memory_space<vmem_shared>>
          tpu.wait_dma2 semaphore(%run_scoped3A : memref<!tpu.dma_semaphore, #tpu.memory_space<semaphore_mem>>) src(%dma_wait3A_42 : memref<80x128xf32, #tpu.memory_space<vmem_shared>>) dst(%dma_wait3A_40 : memref<80x128xf32, #tpu.memory_space<hbm>>)
          tpu.yield
        }) : () -> ()
        %mul3A_31 = arith.constant 80 : i32
        %mul3A_32 = arith.muli %add3A_24, %mul3A_31 : i32
        %mul3A_33 = arith.constant 80 : i32
        %mul3A_34 = arith.muli %add3A_24, %mul3A_33 : i32
        "tpu.region"() ({
          %run_scoped3A = tpu.sem_alloc : memref<!tpu.dma_semaphore, #tpu.memory_space<semaphore_mem>>
          %dma_start3A = arith.constant 0 : i32
          %dma_start3A_35 = tpu.memref_slice %arg8[%arg0, %mul3A_34, %dma_start3A] : memref<2x10000x16xf32, #tpu.memory_space<hbm>> -> memref<1x80x16xf32, #tpu.memory_space<hbm>>
          %dma_start3A_36 = tpu.memref_squeeze %dma_start3A_35 : memref<1x80x16xf32, #tpu.memory_space<hbm>> -> memref<80x16xf32, #tpu.memory_space<hbm>>
          %dma_start3A_37 = arith.constant 0 : i32
          %dma_start3A_38 = tpu.memref_slice %arg13[%mul3A_32, %dma_start3A_37] : memref<10000x16xf32, #tpu.memory_space<vmem_shared>> -> memref<80x16xf32, #tpu.memory_space<vmem_shared>>
          tpu.enqueue_dma source(%dma_start3A_38 : memref<80x16xf32, #tpu.memory_space<vmem_shared>>) target(%dma_start3A_36 : memref<80x16xf32, #tpu.memory_space<hbm>>) target_semaphore(%run_scoped3A : memref<!tpu.dma_semaphore, #tpu.memory_space<semaphore_mem>>)
          %dma_wait3A = arith.constant 0 : i32
          %dma_wait3A_39 = tpu.memref_slice %arg8[%arg0, %mul3A_34, %dma_wait3A] : memref<2x10000x16xf32, #tpu.memory_space<hbm>> -> memref<1x80x16xf32, #tpu.memory_space<hbm>>
          %dma_wait3A_40 = tpu.memref_squeeze %dma_wait3A_39 : memref<1x80x16xf32, #tpu.memory_space<hbm>> -> memref<80x16xf32, #tpu.memory_space<hbm>>
          %dma_wait3A_41 = arith.constant 0 : i32
          %dma_wait3A_42 = tpu.memref_slice %arg13[%mul3A_32, %dma_wait3A_41] : memref<10000x16xf32, #tpu.memory_space<vmem_shared>> -> memref<80x16xf32, #tpu.memory_space<vmem_shared>>
          tpu.wait_dma2 semaphore(%run_scoped3A : memref<!tpu.dma_semaphore, #tpu.memory_space<semaphore_mem>>) src(%dma_wait3A_42 : memref<80x16xf32, #tpu.memory_space<vmem_shared>>) dst(%dma_wait3A_40 : memref<80x16xf32, #tpu.memory_space<hbm>>)
          tpu.yield
        }) : () -> ()
      } else {
      }
    }
    %scan3A_20 = arith.constant 8 : i32
    return
  }
}

#map = affine_map<(d0, d1) -> (0, 0)>
#map1 = affine_map<(d0, d1) -> (0)>
module attributes {stable_mosaic.version = 14 : i64} {
  func.func @gather(%arg0: i32, %arg1: i32, %arg2: memref<10000x128xf32, #tpu.memory_space<hbm>>, %arg3: memref<320000xi32, #tpu.memory_space<hbm>>, %arg4: memref<320000xi32, #tpu.memory_space<hbm>>, %arg5: memref<320000x128xf32, #tpu.memory_space<hbm>>, %arg6: memref<320000x128xf32, #tpu.memory_space<hbm>>, %arg7: memref<80xi32, #tpu.memory_space<vmem>>, %arg8: memref<80xi32, #tpu.memory_space<vmem>>, %arg9: memref<80x128xf32, #tpu.memory_space<vmem>>, %arg10: memref<80x128xf32, #tpu.memory_space<vmem>>, %arg11: memref<!tpu.dma_semaphore, #tpu.memory_space<semaphore_mem>>, %arg12: memref<!tpu.dma_semaphore, #tpu.memory_space<semaphore_mem>>, %arg13: memref<!tpu.dma_semaphore, #tpu.memory_space<semaphore_mem>>, %arg14: memref<!tpu.dma_semaphore, #tpu.memory_space<semaphore_mem>>) attributes {dimension_semantics = [#tpu.dimension_semantics<core_parallel>, #tpu.dimension_semantics<subcore_parallel>], iteration_bounds = array<i64: 2, 16>, scalar_prefetch = 0 : i64, scratch_operands = 8 : i64, tpu.core_type = #tpu.core_type<sc_vector_subcore>, window_params = [{transform_indices = #map}, {transform_indices = #map1}, {transform_indices = #map1}, {transform_indices = #map}, {transform_indices = #map}]} {
    %mul3A = arith.constant 2 : i32
    %mul3A_0 = arith.muli %arg1, %mul3A : i32
    %add3A = arith.addi %mul3A_0, %arg0 : i32
    %mul3A_1 = arith.constant 10000 : i32
    %mul3A_2 = arith.muli %add3A, %mul3A_1 : i32
    %scan3A = arith.constant 0 : i32
    %scan3A_3 = arith.constant 0 : i32
    %scan3A_4 = arith.constant 125 : i32
    %scan3A_5 = arith.addi %scan3A_3, %scan3A_4 : i32
    %scan3A_6 = arith.constant 1 : i32
    scf.for %scan3A_8 = %scan3A_3 to %scan3A_5 step %scan3A_6  : i32 {
      %mul3A_9 = arith.constant 80 : i32
      %mul3A_10 = arith.muli %scan3A_8, %mul3A_9 : i32
      %add3A_11 = arith.addi %mul3A_2, %mul3A_10 : i32
      "tpu.region"() ({
        %run_scoped3A = tpu.sem_alloc : memref<!tpu.dma_semaphore, #tpu.memory_space<semaphore_mem>>
        %dma_start3A_38 = tpu.memref_slice %arg3[%add3A_11] : memref<320000xi32, #tpu.memory_space<hbm>> -> memref<80xi32, #tpu.memory_space<hbm>>
        %dma_start3A_39 = tpu.memref_slice %arg3[%add3A_11] : memref<320000xi32, #tpu.memory_space<hbm>> -> memref<80xi32, #tpu.memory_space<hbm>>
        tpu.enqueue_dma source(%dma_start3A_39 : memref<80xi32, #tpu.memory_space<hbm>>) target(%arg7 : memref<80xi32, #tpu.memory_space<vmem>>) target_semaphore(%run_scoped3A : memref<!tpu.dma_semaphore, #tpu.memory_space<semaphore_mem>>)
        %dma_wait3A_40 = tpu.memref_slice %arg3[%add3A_11] : memref<320000xi32, #tpu.memory_space<hbm>> -> memref<80xi32, #tpu.memory_space<hbm>>
        %dma_wait3A_41 = tpu.memref_slice %arg3[%add3A_11] : memref<320000xi32, #tpu.memory_space<hbm>> -> memref<80xi32, #tpu.memory_space<hbm>>
        tpu.wait_dma2 semaphore(%run_scoped3A : memref<!tpu.dma_semaphore, #tpu.memory_space<semaphore_mem>>) src(%dma_wait3A_41 : memref<80xi32, #tpu.memory_space<hbm>>) dst(%arg7 : memref<80xi32, #tpu.memory_space<vmem>>)
        tpu.yield
      }) : () -> ()
      "tpu.region"() ({
        %run_scoped3A = tpu.sem_alloc : memref<!tpu.dma_semaphore, #tpu.memory_space<semaphore_mem>>
        %dma_start3A_38 = tpu.memref_slice %arg4[%add3A_11] : memref<320000xi32, #tpu.memory_space<hbm>> -> memref<80xi32, #tpu.memory_space<hbm>>
        %dma_start3A_39 = tpu.memref_slice %arg4[%add3A_11] : memref<320000xi32, #tpu.memory_space<hbm>> -> memref<80xi32, #tpu.memory_space<hbm>>
        tpu.enqueue_dma source(%dma_start3A_39 : memref<80xi32, #tpu.memory_space<hbm>>) target(%arg8 : memref<80xi32, #tpu.memory_space<vmem>>) target_semaphore(%run_scoped3A : memref<!tpu.dma_semaphore, #tpu.memory_space<semaphore_mem>>)
        %dma_wait3A_40 = tpu.memref_slice %arg4[%add3A_11] : memref<320000xi32, #tpu.memory_space<hbm>> -> memref<80xi32, #tpu.memory_space<hbm>>
        %dma_wait3A_41 = tpu.memref_slice %arg4[%add3A_11] : memref<320000xi32, #tpu.memory_space<hbm>> -> memref<80xi32, #tpu.memory_space<hbm>>
        tpu.wait_dma2 semaphore(%run_scoped3A : memref<!tpu.dma_semaphore, #tpu.memory_space<semaphore_mem>>) src(%dma_wait3A_41 : memref<80xi32, #tpu.memory_space<hbm>>) dst(%arg8 : memref<80xi32, #tpu.memory_space<vmem>>)
        tpu.yield
      }) : () -> ()
      %dma_start3A = arith.constant 0 : i32
      %dma_start3A_12 = arith.constant 0 : i32
      %dma_start3A_13 = tpu.memref_slice %arg2[%dma_start3A, %dma_start3A_12] : memref<10000x128xf32, #tpu.memory_space<hbm>> -> memref<10000x128xf32, #tpu.memory_space<hbm>>
      tpu.enqueue_indirect_dma source(%dma_start3A_13 : memref<10000x128xf32, #tpu.memory_space<hbm>>) target(%arg9 : memref<80x128xf32, #tpu.memory_space<vmem>>) offsets(%arg7 : memref<80xi32, #tpu.memory_space<vmem>>) semaphore(%arg11 : memref<!tpu.dma_semaphore, #tpu.memory_space<semaphore_mem>>)
      %dma_start3A_14 = arith.constant 0 : i32
      %dma_start3A_15 = arith.constant 0 : i32
      %dma_start3A_16 = tpu.memref_slice %arg2[%dma_start3A_14, %dma_start3A_15] : memref<10000x128xf32, #tpu.memory_space<hbm>> -> memref<10000x128xf32, #tpu.memory_space<hbm>>
      tpu.enqueue_indirect_dma source(%dma_start3A_16 : memref<10000x128xf32, #tpu.memory_space<hbm>>) target(%arg10 : memref<80x128xf32, #tpu.memory_space<vmem>>) offsets(%arg8 : memref<80xi32, #tpu.memory_space<vmem>>) semaphore(%arg12 : memref<!tpu.dma_semaphore, #tpu.memory_space<semaphore_mem>>)
      %dma_wait3A = arith.constant 0 : i32
      %dma_wait3A_17 = arith.constant 0 : i32
      %dma_wait3A_18 = tpu.memref_slice %arg2[%dma_wait3A, %dma_wait3A_17] : memref<10000x128xf32, #tpu.memory_space<hbm>> -> memref<10000x128xf32, #tpu.memory_space<hbm>>
      tpu.wait_indirect_dma semaphore(%arg11 : memref<!tpu.dma_semaphore, #tpu.memory_space<semaphore_mem>>) src(%dma_wait3A_18 : memref<10000x128xf32, #tpu.memory_space<hbm>>) dst(%arg9 : memref<80x128xf32, #tpu.memory_space<vmem>>)
      %dma_start3A_19 = arith.constant 0 : i32
      %dma_start3A_20 = tpu.memref_slice %arg5[%add3A_11, %dma_start3A_19] : memref<320000x128xf32, #tpu.memory_space<hbm>> -> memref<80x128xf32, #tpu.memory_space<hbm>>
      %dma_start3A_21 = arith.constant 0 : i32
      %dma_start3A_22 = tpu.memref_slice %arg5[%add3A_11, %dma_start3A_21] : memref<320000x128xf32, #tpu.memory_space<hbm>> -> memref<80x128xf32, #tpu.memory_space<hbm>>
      tpu.enqueue_dma source(%arg9 : memref<80x128xf32, #tpu.memory_space<vmem>>) target(%dma_start3A_22 : memref<80x128xf32, #tpu.memory_space<hbm>>) target_semaphore(%arg13 : memref<!tpu.dma_semaphore, #tpu.memory_space<semaphore_mem>>)
      %dma_wait3A_23 = arith.constant 0 : i32
      %dma_wait3A_24 = arith.constant 0 : i32
      %dma_wait3A_25 = tpu.memref_slice %arg2[%dma_wait3A_23, %dma_wait3A_24] : memref<10000x128xf32, #tpu.memory_space<hbm>> -> memref<10000x128xf32, #tpu.memory_space<hbm>>
      tpu.wait_indirect_dma semaphore(%arg12 : memref<!tpu.dma_semaphore, #tpu.memory_space<semaphore_mem>>) src(%dma_wait3A_25 : memref<10000x128xf32, #tpu.memory_space<hbm>>) dst(%arg10 : memref<80x128xf32, #tpu.memory_space<vmem>>)
      %dma_start3A_26 = arith.constant 0 : i32
      %dma_start3A_27 = tpu.memref_slice %arg6[%add3A_11, %dma_start3A_26] : memref<320000x128xf32, #tpu.memory_space<hbm>> -> memref<80x128xf32, #tpu.memory_space<hbm>>
      %dma_start3A_28 = arith.constant 0 : i32
      %dma_start3A_29 = tpu.memref_slice %arg6[%add3A_11, %dma_start3A_28] : memref<320000x128xf32, #tpu.memory_space<hbm>> -> memref<80x128xf32, #tpu.memory_space<hbm>>
      tpu.enqueue_dma source(%arg10 : memref<80x128xf32, #tpu.memory_space<vmem>>) target(%dma_start3A_29 : memref<80x128xf32, #tpu.memory_space<hbm>>) target_semaphore(%arg14 : memref<!tpu.dma_semaphore, #tpu.memory_space<semaphore_mem>>)
      %dma_wait3A_30 = arith.constant 0 : i32
      %dma_wait3A_31 = tpu.memref_slice %arg5[%add3A_11, %dma_wait3A_30] : memref<320000x128xf32, #tpu.memory_space<hbm>> -> memref<80x128xf32, #tpu.memory_space<hbm>>
      %dma_wait3A_32 = arith.constant 0 : i32
      %dma_wait3A_33 = tpu.memref_slice %arg5[%add3A_11, %dma_wait3A_32] : memref<320000x128xf32, #tpu.memory_space<hbm>> -> memref<80x128xf32, #tpu.memory_space<hbm>>
      tpu.wait_dma2 semaphore(%arg13 : memref<!tpu.dma_semaphore, #tpu.memory_space<semaphore_mem>>) src(%arg9 : memref<80x128xf32, #tpu.memory_space<vmem>>) dst(%dma_wait3A_33 : memref<80x128xf32, #tpu.memory_space<hbm>>)
      %dma_wait3A_34 = arith.constant 0 : i32
      %dma_wait3A_35 = tpu.memref_slice %arg6[%add3A_11, %dma_wait3A_34] : memref<320000x128xf32, #tpu.memory_space<hbm>> -> memref<80x128xf32, #tpu.memory_space<hbm>>
      %dma_wait3A_36 = arith.constant 0 : i32
      %dma_wait3A_37 = tpu.memref_slice %arg6[%add3A_11, %dma_wait3A_36] : memref<320000x128xf32, #tpu.memory_space<hbm>> -> memref<80x128xf32, #tpu.memory_space<hbm>>
      tpu.wait_dma2 semaphore(%arg14 : memref<!tpu.dma_semaphore, #tpu.memory_space<semaphore_mem>>) src(%arg10 : memref<80x128xf32, #tpu.memory_space<vmem>>) dst(%dma_wait3A_37 : memref<80x128xf32, #tpu.memory_space<hbm>>)
    }
    %scan3A_7 = arith.constant 125 : i32
    return
  }
}

#map = affine_map<(d0, d1) -> (0, 0)>
#map1 = affine_map<(d0, d1) -> (0)>
module attributes {stable_mosaic.version = 14 : i64} {
  func.func @gather(%arg0: i32, %arg1: i32, %arg2: memref<10000x128xf32, #tpu.memory_space<hbm>>, %arg3: memref<320000xi32, #tpu.memory_space<hbm>>, %arg4: memref<320000xi32, #tpu.memory_space<hbm>>, %arg5: memref<320000x128xf32, #tpu.memory_space<hbm>>, %arg6: memref<320000x128xf32, #tpu.memory_space<hbm>>, %arg7: memref<80xi32, #tpu.memory_space<vmem>>, %arg8: memref<80xi32, #tpu.memory_space<vmem>>, %arg9: memref<80x128xf32, #tpu.memory_space<vmem>>, %arg10: memref<80x128xf32, #tpu.memory_space<vmem>>, %arg11: memref<!tpu.dma_semaphore, #tpu.memory_space<semaphore_mem>>, %arg12: memref<!tpu.dma_semaphore, #tpu.memory_space<semaphore_mem>>, %arg13: memref<!tpu.dma_semaphore, #tpu.memory_space<semaphore_mem>>, %arg14: memref<!tpu.dma_semaphore, #tpu.memory_space<semaphore_mem>>) attributes {dimension_semantics = [#tpu.dimension_semantics<core_parallel>, #tpu.dimension_semantics<subcore_parallel>], iteration_bounds = array<i64: 2, 16>, scalar_prefetch = 0 : i64, scratch_operands = 8 : i64, tpu.core_type = #tpu.core_type<sc_vector_subcore>, window_params = [{transform_indices = #map}, {transform_indices = #map1}, {transform_indices = #map1}, {transform_indices = #map}, {transform_indices = #map}]} {
    %mul3A = arith.constant 2 : i32
    %mul3A_0 = arith.muli %arg1, %mul3A : i32
    %add3A = arith.addi %mul3A_0, %arg0 : i32
    %mul3A_1 = arith.constant 10000 : i32
    %mul3A_2 = arith.muli %add3A, %mul3A_1 : i32
    %scan3A = arith.constant 0 : i32
    %scan3A_3 = arith.constant 0 : i32
    %scan3A_4 = arith.constant 125 : i32
    %scan3A_5 = arith.addi %scan3A_3, %scan3A_4 : i32
    %scan3A_6 = arith.constant 1 : i32
    scf.for %scan3A_8 = %scan3A_3 to %scan3A_5 step %scan3A_6  : i32 {
      %mul3A_9 = arith.constant 80 : i32
      %mul3A_10 = arith.muli %scan3A_8, %mul3A_9 : i32
      %add3A_11 = arith.addi %mul3A_2, %mul3A_10 : i32
      "tpu.region"() ({
        %run_scoped3A = tpu.sem_alloc : memref<!tpu.dma_semaphore, #tpu.memory_space<semaphore_mem>>
        %dma_start3A_38 = tpu.memref_slice %arg3[%add3A_11] : memref<320000xi32, #tpu.memory_space<hbm>> -> memref<80xi32, #tpu.memory_space<hbm>>
        %dma_start3A_39 = tpu.memref_slice %arg3[%add3A_11] : memref<320000xi32, #tpu.memory_space<hbm>> -> memref<80xi32, #tpu.memory_space<hbm>>
        tpu.enqueue_dma source(%dma_start3A_39 : memref<80xi32, #tpu.memory_space<hbm>>) target(%arg7 : memref<80xi32, #tpu.memory_space<vmem>>) target_semaphore(%run_scoped3A : memref<!tpu.dma_semaphore, #tpu.memory_space<semaphore_mem>>)
        %dma_wait3A_40 = tpu.memref_slice %arg3[%add3A_11] : memref<320000xi32, #tpu.memory_space<hbm>> -> memref<80xi32, #tpu.memory_space<hbm>>
        %dma_wait3A_41 = tpu.memref_slice %arg3[%add3A_11] : memref<320000xi32, #tpu.memory_space<hbm>> -> memref<80xi32, #tpu.memory_space<hbm>>
        tpu.wait_dma2 semaphore(%run_scoped3A : memref<!tpu.dma_semaphore, #tpu.memory_space<semaphore_mem>>) src(%dma_wait3A_41 : memref<80xi32, #tpu.memory_space<hbm>>) dst(%arg7 : memref<80xi32, #tpu.memory_space<vmem>>)
        tpu.yield
      }) : () -> ()
      "tpu.region"() ({
        %run_scoped3A = tpu.sem_alloc : memref<!tpu.dma_semaphore, #tpu.memory_space<semaphore_mem>>
        %dma_start3A_38 = tpu.memref_slice %arg4[%add3A_11] : memref<320000xi32, #tpu.memory_space<hbm>> -> memref<80xi32, #tpu.memory_space<hbm>>
        %dma_start3A_39 = tpu.memref_slice %arg4[%add3A_11] : memref<320000xi32, #tpu.memory_space<hbm>> -> memref<80xi32, #tpu.memory_space<hbm>>
        tpu.enqueue_dma source(%dma_start3A_39 : memref<80xi32, #tpu.memory_space<hbm>>) target(%arg8 : memref<80xi32, #tpu.memory_space<vmem>>) target_semaphore(%run_scoped3A : memref<!tpu.dma_semaphore, #tpu.memory_space<semaphore_mem>>)
        %dma_wait3A_40 = tpu.memref_slice %arg4[%add3A_11] : memref<320000xi32, #tpu.memory_space<hbm>> -> memref<80xi32, #tpu.memory_space<hbm>>
        %dma_wait3A_41 = tpu.memref_slice %arg4[%add3A_11] : memref<320000xi32, #tpu.memory_space<hbm>> -> memref<80xi32, #tpu.memory_space<hbm>>
        tpu.wait_dma2 semaphore(%run_scoped3A : memref<!tpu.dma_semaphore, #tpu.memory_space<semaphore_mem>>) src(%dma_wait3A_41 : memref<80xi32, #tpu.memory_space<hbm>>) dst(%arg8 : memref<80xi32, #tpu.memory_space<vmem>>)
        tpu.yield
      }) : () -> ()
      %dma_start3A = arith.constant 0 : i32
      %dma_start3A_12 = arith.constant 0 : i32
      %dma_start3A_13 = tpu.memref_slice %arg2[%dma_start3A, %dma_start3A_12] : memref<10000x128xf32, #tpu.memory_space<hbm>> -> memref<10000x128xf32, #tpu.memory_space<hbm>>
      tpu.enqueue_indirect_dma source(%dma_start3A_13 : memref<10000x128xf32, #tpu.memory_space<hbm>>) target(%arg9 : memref<80x128xf32, #tpu.memory_space<vmem>>) offsets(%arg7 : memref<80xi32, #tpu.memory_space<vmem>>) semaphore(%arg11 : memref<!tpu.dma_semaphore, #tpu.memory_space<semaphore_mem>>)
      %dma_start3A_14 = arith.constant 0 : i32
      %dma_start3A_15 = arith.constant 0 : i32
      %dma_start3A_16 = tpu.memref_slice %arg2[%dma_start3A_14, %dma_start3A_15] : memref<10000x128xf32, #tpu.memory_space<hbm>> -> memref<10000x128xf32, #tpu.memory_space<hbm>>
      tpu.enqueue_indirect_dma source(%dma_start3A_16 : memref<10000x128xf32, #tpu.memory_space<hbm>>) target(%arg10 : memref<80x128xf32, #tpu.memory_space<vmem>>) offsets(%arg8 : memref<80xi32, #tpu.memory_space<vmem>>) semaphore(%arg12 : memref<!tpu.dma_semaphore, #tpu.memory_space<semaphore_mem>>)
      %dma_wait3A = arith.constant 0 : i32
      %dma_wait3A_17 = arith.constant 0 : i32
      %dma_wait3A_18 = tpu.memref_slice %arg2[%dma_wait3A, %dma_wait3A_17] : memref<10000x128xf32, #tpu.memory_space<hbm>> -> memref<10000x128xf32, #tpu.memory_space<hbm>>
      tpu.wait_indirect_dma semaphore(%arg11 : memref<!tpu.dma_semaphore, #tpu.memory_space<semaphore_mem>>) src(%dma_wait3A_18 : memref<10000x128xf32, #tpu.memory_space<hbm>>) dst(%arg9 : memref<80x128xf32, #tpu.memory_space<vmem>>)
      %dma_start3A_19 = arith.constant 0 : i32
      %dma_start3A_20 = tpu.memref_slice %arg5[%add3A_11, %dma_start3A_19] : memref<320000x128xf32, #tpu.memory_space<hbm>> -> memref<80x128xf32, #tpu.memory_space<hbm>>
      %dma_start3A_21 = arith.constant 0 : i32
      %dma_start3A_22 = tpu.memref_slice %arg5[%add3A_11, %dma_start3A_21] : memref<320000x128xf32, #tpu.memory_space<hbm>> -> memref<80x128xf32, #tpu.memory_space<hbm>>
      tpu.enqueue_dma source(%arg9 : memref<80x128xf32, #tpu.memory_space<vmem>>) target(%dma_start3A_22 : memref<80x128xf32, #tpu.memory_space<hbm>>) target_semaphore(%arg13 : memref<!tpu.dma_semaphore, #tpu.memory_space<semaphore_mem>>)
      %dma_wait3A_23 = arith.constant 0 : i32
      %dma_wait3A_24 = arith.constant 0 : i32
      %dma_wait3A_25 = tpu.memref_slice %arg2[%dma_wait3A_23, %dma_wait3A_24] : memref<10000x128xf32, #tpu.memory_space<hbm>> -> memref<10000x128xf32, #tpu.memory_space<hbm>>
      tpu.wait_indirect_dma semaphore(%arg12 : memref<!tpu.dma_semaphore, #tpu.memory_space<semaphore_mem>>) src(%dma_wait3A_25 : memref<10000x128xf32, #tpu.memory_space<hbm>>) dst(%arg10 : memref<80x128xf32, #tpu.memory_space<vmem>>)
      %dma_start3A_26 = arith.constant 0 : i32
      %dma_start3A_27 = tpu.memref_slice %arg6[%add3A_11, %dma_start3A_26] : memref<320000x128xf32, #tpu.memory_space<hbm>> -> memref<80x128xf32, #tpu.memory_space<hbm>>
      %dma_start3A_28 = arith.constant 0 : i32
      %dma_start3A_29 = tpu.memref_slice %arg6[%add3A_11, %dma_start3A_28] : memref<320000x128xf32, #tpu.memory_space<hbm>> -> memref<80x128xf32, #tpu.memory_space<hbm>>
      tpu.enqueue_dma source(%arg10 : memref<80x128xf32, #tpu.memory_space<vmem>>) target(%dma_start3A_29 : memref<80x128xf32, #tpu.memory_space<hbm>>) target_semaphore(%arg14 : memref<!tpu.dma_semaphore, #tpu.memory_space<semaphore_mem>>)
      %dma_wait3A_30 = arith.constant 0 : i32
      %dma_wait3A_31 = tpu.memref_slice %arg5[%add3A_11, %dma_wait3A_30] : memref<320000x128xf32, #tpu.memory_space<hbm>> -> memref<80x128xf32, #tpu.memory_space<hbm>>
      %dma_wait3A_32 = arith.constant 0 : i32
      %dma_wait3A_33 = tpu.memref_slice %arg5[%add3A_11, %dma_wait3A_32] : memref<320000x128xf32, #tpu.memory_space<hbm>> -> memref<80x128xf32, #tpu.memory_space<hbm>>
      tpu.wait_dma2 semaphore(%arg13 : memref<!tpu.dma_semaphore, #tpu.memory_space<semaphore_mem>>) src(%arg9 : memref<80x128xf32, #tpu.memory_space<vmem>>) dst(%dma_wait3A_33 : memref<80x128xf32, #tpu.memory_space<hbm>>)
      %dma_wait3A_34 = arith.constant 0 : i32
      %dma_wait3A_35 = tpu.memref_slice %arg6[%add3A_11, %dma_wait3A_34] : memref<320000x128xf32, #tpu.memory_space<hbm>> -> memref<80x128xf32, #tpu.memory_space<hbm>>
      %dma_wait3A_36 = arith.constant 0 : i32
      %dma_wait3A_37 = tpu.memref_slice %arg6[%add3A_11, %dma_wait3A_36] : memref<320000x128xf32, #tpu.memory_space<hbm>> -> memref<80x128xf32, #tpu.memory_space<hbm>>
      tpu.wait_dma2 semaphore(%arg14 : memref<!tpu.dma_semaphore, #tpu.memory_space<semaphore_mem>>) src(%arg10 : memref<80x128xf32, #tpu.memory_space<vmem>>) dst(%dma_wait3A_37 : memref<80x128xf32, #tpu.memory_space<hbm>>)
    }
    %scan3A_7 = arith.constant 125 : i32
    return
  }
}

module attributes {stable_mosaic.version = 14 : i64} {
  func.func @_edge_attn_body(%arg0: i32, %arg1: memref<1600x128xf32, #tpu.memory_space<vmem>>, %arg2: memref<1600x16xf32, #tpu.memory_space<vmem>>, %arg3: memref<1600x128xf32, #tpu.memory_space<vmem>>, %arg4: memref<128x640xf32, #tpu.memory_space<vmem>>, %arg5: memref<16x640xf32, #tpu.memory_space<vmem>>, %arg6: memref<128x640xf32, #tpu.memory_space<vmem>>, %arg7: memref<1x640xf32, #tpu.memory_space<vmem>>, %arg8: memref<1600x128xf32, #tpu.memory_space<vmem>>, %arg9: memref<1600x16xf32, #tpu.memory_space<vmem>>) attributes {dimension_semantics = [#tpu.dimension_semantics<arbitrary>], iteration_bounds = array<i64: 200>, scalar_prefetch = 0 : i64, scratch_operands = 0 : i64, tpu.core_type = #tpu.core_type<tc>, window_params = [{transform_indices = @transform_0, window_bounds = array<i64: 1600, 128>}, {transform_indices = @transform_1, window_bounds = array<i64: 1600, 16>}, {transform_indices = @transform_2, window_bounds = array<i64: 1600, 128>}, {pipeline_mode = #tpu.pipeline_mode<synchronous>, transform_indices = @transform_3, window_bounds = array<i64: 128, 640>}, {pipeline_mode = #tpu.pipeline_mode<synchronous>, transform_indices = @transform_4, window_bounds = array<i64: 16, 640>}, {pipeline_mode = #tpu.pipeline_mode<synchronous>, transform_indices = @transform_5, window_bounds = array<i64: 128, 640>}, {pipeline_mode = #tpu.pipeline_mode<synchronous>, transform_indices = @transform_6, window_bounds = array<i64: 1, 640>}, {transform_indices = @transform_7, window_bounds = array<i64: 1600, 128>}, {transform_indices = @transform_8, window_bounds = array<i64: 1600, 16>}]} {
    %get3A = arith.constant 0 : index
    %get3A_0 = arith.constant 0 : index
    %get3A_1 = vector.load %arg1[%get3A, %get3A_0] : memref<1600x128xf32, #tpu.memory_space<vmem>>, vector<1600x128xf32>
    %convert_element_type3A = arith.truncf %get3A_1 : vector<1600x128xf32> to vector<1600x128xbf16>
    %get3A_2 = arith.constant 0 : index
    %get3A_3 = arith.constant 0 : index
    %get3A_4 = vector.load %arg4[%get3A_2, %get3A_3] : memref<128x640xf32, #tpu.memory_space<vmem>>, vector<128x640xf32>
    %convert_element_type3A_5 = arith.truncf %get3A_4 : vector<128x640xf32> to vector<128x640xbf16>
    %dot_general3A = arith.constant dense<0.000000e+00> : vector<1600x640xf32>
    %dot_general3A_6 = tpu.matmul %convert_element_type3A, %convert_element_type3A_5, %dot_general3A {dimension_numbers = #tpu.dot_dimension_numbers<[1], [0], [0], [1], [0, 0, 1, 1], [], []>, transpose_lhs_hint = false} : vector<1600x128xbf16>, vector<128x640xbf16>, vector<1600x640xf32> -> vector<1600x640xf32>
    %get3A_7 = arith.constant 0 : index
    %get3A_8 = arith.constant 0 : index
    %get3A_9 = vector.load %arg2[%get3A_7, %get3A_8] : memref<1600x16xf32, #tpu.memory_space<vmem>>, vector<1600x16xf32>
    %convert_element_type3A_10 = arith.truncf %get3A_9 : vector<1600x16xf32> to vector<1600x16xbf16>
    %get3A_11 = arith.constant 0 : index
    %get3A_12 = arith.constant 0 : index
    %get3A_13 = vector.load %arg5[%get3A_11, %get3A_12] : memref<16x640xf32, #tpu.memory_space<vmem>>, vector<16x640xf32>
    %convert_element_type3A_14 = arith.truncf %get3A_13 : vector<16x640xf32> to vector<16x640xbf16>
    %dot_general3A_15 = arith.constant dense<0.000000e+00> : vector<1600x640xf32>
    %dot_general3A_16 = tpu.matmul %convert_element_type3A_10, %convert_element_type3A_14, %dot_general3A_15 {dimension_numbers = #tpu.dot_dimension_numbers<[1], [0], [0], [1], [0, 0, 1, 1], [], []>, transpose_lhs_hint = false} : vector<1600x16xbf16>, vector<16x640xbf16>, vector<1600x640xf32> -> vector<1600x640xf32>
    %add3A = arith.addf %dot_general3A_6, %dot_general3A_16 : vector<1600x640xf32>
    %get3A_17 = arith.constant 0 : index
    %get3A_18 = arith.constant 0 : index
    %get3A_19 = vector.load %arg3[%get3A_17, %get3A_18] : memref<1600x128xf32, #tpu.memory_space<vmem>>, vector<1600x128xf32>
    %convert_element_type3A_20 = arith.truncf %get3A_19 : vector<1600x128xf32> to vector<1600x128xbf16>
    %get3A_21 = arith.constant 0 : index
    %get3A_22 = arith.constant 0 : index
    %get3A_23 = vector.load %arg6[%get3A_21, %get3A_22] : memref<128x640xf32, #tpu.memory_space<vmem>>, vector<128x640xf32>
    %convert_element_type3A_24 = arith.truncf %get3A_23 : vector<128x640xf32> to vector<128x640xbf16>
    %dot_general3A_25 = arith.constant dense<0.000000e+00> : vector<1600x640xf32>
    %dot_general3A_26 = tpu.matmul %convert_element_type3A_20, %convert_element_type3A_24, %dot_general3A_25 {dimension_numbers = #tpu.dot_dimension_numbers<[1], [0], [0], [1], [0, 0, 1, 1], [], []>, transpose_lhs_hint = false} : vector<1600x128xbf16>, vector<128x640xbf16>, vector<1600x640xf32> -> vector<1600x640xf32>
    %add3A_27 = arith.addf %add3A, %dot_general3A_26 : vector<1600x640xf32>
    %get3A_28 = arith.constant 0 : index
    %get3A_29 = arith.constant 0 : index
    %get3A_30 = vector.load %arg7[%get3A_28, %get3A_29] : memref<1x640xf32, #tpu.memory_space<vmem>>, vector<1x640xf32>
    %add3A_31 = vector.broadcast %get3A_30 : vector<1x640xf32> to vector<1600x640xf32>
    %add3A_32 = arith.addf %add3A_27, %add3A_31 : vector<1600x640xf32>
    %slice3A = vector.extract_strided_slice %add3A_32 {offsets = [0, 0], sizes = [1600, 256], strides = [1, 1]} : vector<1600x640xf32> to vector<1600x256xf32>
    %slice3A_33 = vector.extract_strided_slice %add3A_32 {offsets = [0, 256], sizes = [1600, 256], strides = [1, 1]} : vector<1600x640xf32> to vector<1600x256xf32>
    %slice3A_34 = vector.extract_strided_slice %add3A_32 {offsets = [0, 512], sizes = [1600, 128], strides = [1, 1]} : vector<1600x640xf32> to vector<1600x128xf32>
    %mul3A = arith.mulf %slice3A, %slice3A_33 : vector<1600x256xf32>
    %iota3A = tpu.iota {dimensions = array<i32: 0>} : vector<256x16xi32>
    %iota3A_35 = tpu.iota {dimensions = array<i32: 1>} : vector<256x16xi32>
    %jit3A = arith.constant 64 : i32
    %div3A = vector.broadcast %jit3A : i32 to vector<256x16xi32>
    %div3A_36 = arith.divsi %iota3A, %div3A : vector<256x16xi32>
    %sign3A = arith.constant 0 : i32
    %sign3A_37 = vector.broadcast %sign3A : i32 to vector<256x16xi32>
    %sign3A_38 = arith.cmpi sgt, %iota3A, %sign3A_37 : vector<256x16xi32>
    %sign3A_39 = arith.extui %sign3A_38 : vector<256x16xi1> to vector<256x16xi32>
    %sign3A_40 = arith.constant 0 : i32
    %sign3A_41 = vector.broadcast %sign3A_40 : i32 to vector<256x16xi32>
    %sign3A_42 = arith.cmpi slt, %iota3A, %sign3A_41 : vector<256x16xi32>
    %sign3A_43 = arith.extui %sign3A_42 : vector<256x16xi1> to vector<256x16xi32>
    %sign3A_44 = arith.subi %sign3A_39, %sign3A_43 : vector<256x16xi32>
    %sign3A_45 = arith.constant 0 : i32
    %sign3A_46 = arith.cmpi sgt, %jit3A, %sign3A_45 : i32
    %sign3A_47 = arith.extui %sign3A_46 : i1 to i32
    %sign3A_48 = arith.constant 0 : i32
    %sign3A_49 = arith.cmpi slt, %jit3A, %sign3A_48 : i32
    %sign3A_50 = arith.extui %sign3A_49 : i1 to i32
    %sign3A_51 = arith.subi %sign3A_47, %sign3A_50 : i32
    %ne3A = vector.broadcast %sign3A_51 : i32 to vector<256x16xi32>
    %ne3A_52 = arith.cmpi ne, %sign3A_44, %ne3A : vector<256x16xi32>
    %rem3A = vector.broadcast %jit3A : i32 to vector<256x16xi32>
    %rem3A_53 = arith.remsi %iota3A, %rem3A : vector<256x16xi32>
    %ne3A_54 = arith.constant 0 : i32
    %ne3A_55 = vector.broadcast %ne3A_54 : i32 to vector<256x16xi32>
    %ne3A_56 = arith.cmpi ne, %rem3A_53, %ne3A_55 : vector<256x16xi32>
    %and3A = arith.andi %ne3A_52, %ne3A_56 : vector<256x16xi1>
    %sub3A = arith.constant 1 : i32
    %sub3A_57 = vector.broadcast %sub3A : i32 to vector<256x16xi32>
    %sub3A_58 = arith.subi %div3A_36, %sub3A_57 : vector<256x16xi32>
    %select_n3A = arith.select %and3A, %sub3A_58, %div3A_36 : vector<256x16xi1>, vector<256x16xi32>
    %eq3A = arith.cmpi eq, %select_n3A, %iota3A_35 : vector<256x16xi32>
    %convert_element_type3A_59 = arith.extui %eq3A : vector<256x16xi1> to vector<256x16xi32>
    %convert_element_type3A_60 = arith.sitofp %convert_element_type3A_59 : vector<256x16xi32> to vector<256x16xf32>
    %dot_general3A_61 = arith.constant dense<0.000000e+00> : vector<1600x16xf32>
    %dot_general3A_62 = tpu.matmul %mul3A, %convert_element_type3A_60, %dot_general3A_61 {dimension_numbers = #tpu.dot_dimension_numbers<[1], [0], [0], [1], [0, 0, 1, 1], [], []>, transpose_lhs_hint = false} : vector<1600x256xf32>, vector<256x16xf32>, vector<1600x16xf32> -> vector<1600x16xf32>
    %mul3A_63 = arith.constant 0.0606339052 : f32
    %mul3A_64 = vector.broadcast %mul3A_63 : f32 to vector<1600x16xf32>
    %mul3A_65 = arith.mulf %dot_general3A_62, %mul3A_64 : vector<1600x16xf32>
    %jit3A_66 = arith.constant -5.000000e+00 : f32
    %jit3A_67 = arith.constant 5.000000e+00 : f32
    %max3A = vector.broadcast %jit3A_66 : f32 to vector<1600x16xf32>
    %max3A_68 = arith.maximumf %max3A, %mul3A_65 : vector<1600x16xf32>
    %min3A = vector.broadcast %jit3A_67 : f32 to vector<1600x16xf32>
    %min3A_69 = arith.minimumf %min3A, %max3A_68 : vector<1600x16xf32>
    %iota3A_70 = tpu.iota {dimensions = array<i32: 1>} : vector<1600x16xi32>
    %lt3A = arith.constant 4 : i32
    %lt3A_71 = vector.broadcast %lt3A : i32 to vector<1600x16xi32>
    %lt3A_72 = arith.cmpi slt, %iota3A_70, %lt3A_71 : vector<1600x16xi32>
    %convert_element_type3A_73 = arith.extui %lt3A_72 : vector<1600x16xi1> to vector<1600x16xi32>
    %convert_element_type3A_74 = arith.sitofp %convert_element_type3A_73 : vector<1600x16xi32> to vector<1600x16xf32>
    %exp3A = math.exp %min3A_69 : vector<1600x16xf32>
    %mul3A_75 = arith.mulf %exp3A, %convert_element_type3A_74 : vector<1600x16xf32>
    %iota3A_76 = tpu.iota {dimensions = array<i32: 0>} : vector<16x128xi32>
    %iota3A_77 = tpu.iota {dimensions = array<i32: 1>} : vector<16x128xi32>
    %jit3A_78 = arith.constant 32 : i32
    %div3A_79 = vector.broadcast %jit3A_78 : i32 to vector<16x128xi32>
    %div3A_80 = arith.divsi %iota3A_77, %div3A_79 : vector<16x128xi32>
    %sign3A_81 = arith.constant 0 : i32
    %sign3A_82 = vector.broadcast %sign3A_81 : i32 to vector<16x128xi32>
    %sign3A_83 = arith.cmpi sgt, %iota3A_77, %sign3A_82 : vector<16x128xi32>
    %sign3A_84 = arith.extui %sign3A_83 : vector<16x128xi1> to vector<16x128xi32>
    %sign3A_85 = arith.constant 0 : i32
    %sign3A_86 = vector.broadcast %sign3A_85 : i32 to vector<16x128xi32>
    %sign3A_87 = arith.cmpi slt, %iota3A_77, %sign3A_86 : vector<16x128xi32>
    %sign3A_88 = arith.extui %sign3A_87 : vector<16x128xi1> to vector<16x128xi32>
    %sign3A_89 = arith.subi %sign3A_84, %sign3A_88 : vector<16x128xi32>
    %sign3A_90 = arith.constant 0 : i32
    %sign3A_91 = arith.cmpi sgt, %jit3A_78, %sign3A_90 : i32
    %sign3A_92 = arith.extui %sign3A_91 : i1 to i32
    %sign3A_93 = arith.constant 0 : i32
    %sign3A_94 = arith.cmpi slt, %jit3A_78, %sign3A_93 : i32
    %sign3A_95 = arith.extui %sign3A_94 : i1 to i32
    %sign3A_96 = arith.subi %sign3A_92, %sign3A_95 : i32
    %ne3A_97 = vector.broadcast %sign3A_96 : i32 to vector<16x128xi32>
    %ne3A_98 = arith.cmpi ne, %sign3A_89, %ne3A_97 : vector<16x128xi32>
    %rem3A_99 = vector.broadcast %jit3A_78 : i32 to vector<16x128xi32>
    %rem3A_100 = arith.remsi %iota3A_77, %rem3A_99 : vector<16x128xi32>
    %ne3A_101 = arith.constant 0 : i32
    %ne3A_102 = vector.broadcast %ne3A_101 : i32 to vector<16x128xi32>
    %ne3A_103 = arith.cmpi ne, %rem3A_100, %ne3A_102 : vector<16x128xi32>
    %and3A_104 = arith.andi %ne3A_98, %ne3A_103 : vector<16x128xi1>
    %sub3A_105 = arith.constant 1 : i32
    %sub3A_106 = vector.broadcast %sub3A_105 : i32 to vector<16x128xi32>
    %sub3A_107 = arith.subi %div3A_80, %sub3A_106 : vector<16x128xi32>
    %select_n3A_108 = arith.select %and3A_104, %sub3A_107, %div3A_80 : vector<16x128xi1>, vector<16x128xi32>
    %eq3A_109 = arith.cmpi eq, %select_n3A_108, %iota3A_76 : vector<16x128xi32>
    %convert_element_type3A_110 = arith.extui %eq3A_109 : vector<16x128xi1> to vector<16x128xi32>
    %convert_element_type3A_111 = arith.sitofp %convert_element_type3A_110 : vector<16x128xi32> to vector<16x128xf32>
    %dot_general3A_112 = arith.constant dense<0.000000e+00> : vector<1600x128xf32>
    %dot_general3A_113 = tpu.matmul %mul3A_75, %convert_element_type3A_111, %dot_general3A_112 {dimension_numbers = #tpu.dot_dimension_numbers<[1], [0], [0], [1], [0, 0, 1, 1], [], []>, transpose_lhs_hint = false} : vector<1600x16xf32>, vector<16x128xf32>, vector<1600x128xf32> -> vector<1600x128xf32>
    %mul3A_114 = arith.mulf %slice3A_34, %dot_general3A_113 : vector<1600x128xf32>
    %swap3A = arith.constant 0 : index
    %swap3A_115 = arith.constant 0 : index
    %swap3A_116 = vector.load %arg8[%swap3A, %swap3A_115] : memref<1600x128xf32, #tpu.memory_space<vmem>>, vector<1600x128xf32>
    tpu.vector_store %arg8[%swap3A, %swap3A_115], %mul3A_114 {strides = array<i32>} : memref<1600x128xf32, #tpu.memory_space<vmem>>, vector<1600x128xf32>,
    %swap3A_117 = arith.constant 0 : index
    %swap3A_118 = arith.constant 0 : index
    %swap3A_119 = vector.load %arg9[%swap3A_117, %swap3A_118] : memref<1600x16xf32, #tpu.memory_space<vmem>>, vector<1600x16xf32>
    tpu.vector_store %arg9[%swap3A_117, %swap3A_118], %mul3A_75 {strides = array<i32>} : memref<1600x16xf32, #tpu.memory_space<vmem>>, vector<1600x16xf32>,
    return
  }
  func.func @transform_0(%arg0: i32) -> (i32, i32) {
    %c0_i32 = arith.constant 0 : i32
    %c0_i32_0 = arith.constant 0 : i32
    return %arg0, %c0_i32 : i32, i32
  }
  func.func @transform_1(%arg0: i32) -> (i32, i32) {
    %c0_i32 = arith.constant 0 : i32
    %c0_i32_0 = arith.constant 0 : i32
    return %arg0, %c0_i32 : i32, i32
  }
  func.func @transform_2(%arg0: i32) -> (i32, i32) {
    %c0_i32 = arith.constant 0 : i32
    %c0_i32_0 = arith.constant 0 : i32
    return %arg0, %c0_i32 : i32, i32
  }
  func.func @transform_3(%arg0: i32) -> (i32, i32) {
    %c0_i32 = arith.constant 0 : i32
    %c0_i32_0 = arith.constant 0 : i32
    %c0_i32_1 = arith.constant 0 : i32
    return %c0_i32, %c0_i32_0 : i32, i32
  }
  func.func @transform_4(%arg0: i32) -> (i32, i32) {
    %c0_i32 = arith.constant 0 : i32
    %c0_i32_0 = arith.constant 0 : i32
    %c0_i32_1 = arith.constant 0 : i32
    return %c0_i32, %c0_i32_0 : i32, i32
  }
  func.func @transform_5(%arg0: i32) -> (i32, i32) {
    %c0_i32 = arith.constant 0 : i32
    %c0_i32_0 = arith.constant 0 : i32
    %c0_i32_1 = arith.constant 0 : i32
    return %c0_i32, %c0_i32_0 : i32, i32
  }
  func.func @transform_6(%arg0: i32) -> (i32, i32) {
    %c0_i32 = arith.constant 0 : i32
    %c0_i32_0 = arith.constant 0 : i32
    %c0_i32_1 = arith.constant 0 : i32
    return %c0_i32, %c0_i32_0 : i32, i32
  }
  func.func @transform_7(%arg0: i32) -> (i32, i32) {
    %c0_i32 = arith.constant 0 : i32
    %c0_i32_0 = arith.constant 0 : i32
    return %arg0, %c0_i32 : i32, i32
  }
  func.func @transform_8(%arg0: i32) -> (i32, i32) {
    %c0_i32 = arith.constant 0 : i32
    %c0_i32_0 = arith.constant 0 : i32
    return %arg0, %c0_i32 : i32, i32
  }
}

module attributes {stable_mosaic.version = 14 : i64} {
  func.func @_node_epi_body(%arg0: i32, %arg1: memref<1000x128xf32, #tpu.memory_space<vmem>>, %arg2: memref<1000x128xf32, #tpu.memory_space<vmem>>, %arg3: memref<1000x16xf32, #tpu.memory_space<vmem>>, %arg4: memref<1000x16xf32, #tpu.memory_space<vmem>>, %arg5: memref<1000x128xf32, #tpu.memory_space<vmem>>, %arg6: memref<128x128xf32, #tpu.memory_space<vmem>>, %arg7: memref<1x128xf32, #tpu.memory_space<vmem>>, %arg8: memref<1x128xf32, #tpu.memory_space<vmem>>, %arg9: memref<1x128xf32, #tpu.memory_space<vmem>>, %arg10: memref<128x128xf32, #tpu.memory_space<vmem>>, %arg11: memref<1x128xf32, #tpu.memory_space<vmem>>, %arg12: memref<1x128xf32, #tpu.memory_space<vmem>>, %arg13: memref<1x128xf32, #tpu.memory_space<vmem>>, %arg14: memref<128x128xf32, #tpu.memory_space<vmem>>, %arg15: memref<1x128xf32, #tpu.memory_space<vmem>>, %arg16: memref<1000x128xf32, #tpu.memory_space<vmem>>) attributes {dimension_semantics = [#tpu.dimension_semantics<arbitrary>], iteration_bounds = array<i64: 10>, scalar_prefetch = 0 : i64, scratch_operands = 0 : i64, tpu.core_type = #tpu.core_type<tc>, window_params = [{transform_indices = @transform_0, window_bounds = array<i64: 1000, 128>}, {transform_indices = @transform_1, window_bounds = array<i64: 1000, 128>}, {transform_indices = @transform_2, window_bounds = array<i64: 1000, 16>}, {transform_indices = @transform_3, window_bounds = array<i64: 1000, 16>}, {transform_indices = @transform_4, window_bounds = array<i64: 1000, 128>}, {pipeline_mode = #tpu.pipeline_mode<synchronous>, transform_indices = @transform_5, window_bounds = array<i64: 128, 128>}, {pipeline_mode = #tpu.pipeline_mode<synchronous>, transform_indices = @transform_6, window_bounds = array<i64: 1, 128>}, {pipeline_mode = #tpu.pipeline_mode<synchronous>, transform_indices = @transform_7, window_bounds = array<i64: 1, 128>}, {pipeline_mode = #tpu.pipeline_mode<synchronous>, transform_indices = @transform_8, window_bounds = array<i64: 1, 128>}, {pipeline_mode = #tpu.pipeline_mode<synchronous>, transform_indices = @transform_9, window_bounds = array<i64: 128, 128>}, {pipeline_mode = #tpu.pipeline_mode<synchronous>, transform_indices = @transform_10, window_bounds = array<i64: 1, 128>}, {pipeline_mode = #tpu.pipeline_mode<synchronous>, transform_indices = @transform_11, window_bounds = array<i64: 1, 128>}, {pipeline_mode = #tpu.pipeline_mode<synchronous>, transform_indices = @transform_12, window_bounds = array<i64: 1, 128>}, {pipeline_mode = #tpu.pipeline_mode<synchronous>, transform_indices = @transform_13, window_bounds = array<i64: 128, 128>}, {pipeline_mode = #tpu.pipeline_mode<synchronous>, transform_indices = @transform_14, window_bounds = array<i64: 1, 128>}, {transform_indices = @transform_15, window_bounds = array<i64: 1000, 128>}]} {
    %get3A = arith.constant 0 : index
    %get3A_0 = arith.constant 0 : index
    %get3A_1 = vector.load %arg1[%get3A, %get3A_0] : memref<1000x128xf32, #tpu.memory_space<vmem>>, vector<1000x128xf32>
    %get3A_2 = arith.constant 0 : index
    %get3A_3 = arith.constant 0 : index
    %get3A_4 = vector.load %arg2[%get3A_2, %get3A_3] : memref<1000x128xf32, #tpu.memory_space<vmem>>, vector<1000x128xf32>
    %add3A = arith.addf %get3A_1, %get3A_4 : vector<1000x128xf32>
    %get3A_5 = arith.constant 0 : index
    %get3A_6 = arith.constant 0 : index
    %get3A_7 = vector.load %arg3[%get3A_5, %get3A_6] : memref<1000x16xf32, #tpu.memory_space<vmem>>, vector<1000x16xf32>
    %get3A_8 = arith.constant 0 : index
    %get3A_9 = arith.constant 0 : index
    %get3A_10 = vector.load %arg4[%get3A_8, %get3A_9] : memref<1000x16xf32, #tpu.memory_space<vmem>>, vector<1000x16xf32>
    %add3A_11 = arith.addf %get3A_7, %get3A_10 : vector<1000x16xf32>
    %eq3A = arith.constant 0.000000e+00 : f32
    %eq3A_12 = vector.broadcast %eq3A : f32 to vector<1000x16xf32>
    %eq3A_13 = arith.cmpf oeq, %add3A_11, %eq3A_12 : vector<1000x16xf32>
    %jit3A = arith.constant 1.000000e+00 : f32
    %broadcast_in_dim3A = vector.broadcast %jit3A : f32 to vector<1000x16xf32>
    %select_n3A = arith.select %eq3A_13, %broadcast_in_dim3A, %add3A_11 : vector<1000x16xi1>, vector<1000x16xf32>
    %iota3A = tpu.iota {dimensions = array<i32: 0>} : vector<16x128xi32>
    %iota3A_14 = tpu.iota {dimensions = array<i32: 1>} : vector<16x128xi32>
    %jit3A_15 = arith.constant 32 : i32
    %div3A = vector.broadcast %jit3A_15 : i32 to vector<16x128xi32>
    %div3A_16 = arith.divsi %iota3A_14, %div3A : vector<16x128xi32>
    %sign3A = arith.constant 0 : i32
    %sign3A_17 = vector.broadcast %sign3A : i32 to vector<16x128xi32>
    %sign3A_18 = arith.cmpi sgt, %iota3A_14, %sign3A_17 : vector<16x128xi32>
    %sign3A_19 = arith.extui %sign3A_18 : vector<16x128xi1> to vector<16x128xi32>
    %sign3A_20 = arith.constant 0 : i32
    %sign3A_21 = vector.broadcast %sign3A_20 : i32 to vector<16x128xi32>
    %sign3A_22 = arith.cmpi slt, %iota3A_14, %sign3A_21 : vector<16x128xi32>
    %sign3A_23 = arith.extui %sign3A_22 : vector<16x128xi1> to vector<16x128xi32>
    %sign3A_24 = arith.subi %sign3A_19, %sign3A_23 : vector<16x128xi32>
    %sign3A_25 = arith.constant 0 : i32
    %sign3A_26 = arith.cmpi sgt, %jit3A_15, %sign3A_25 : i32
    %sign3A_27 = arith.extui %sign3A_26 : i1 to i32
    %sign3A_28 = arith.constant 0 : i32
    %sign3A_29 = arith.cmpi slt, %jit3A_15, %sign3A_28 : i32
    %sign3A_30 = arith.extui %sign3A_29 : i1 to i32
    %sign3A_31 = arith.subi %sign3A_27, %sign3A_30 : i32
    %ne3A = vector.broadcast %sign3A_31 : i32 to vector<16x128xi32>
    %ne3A_32 = arith.cmpi ne, %sign3A_24, %ne3A : vector<16x128xi32>
    %rem3A = vector.broadcast %jit3A_15 : i32 to vector<16x128xi32>
    %rem3A_33 = arith.remsi %iota3A_14, %rem3A : vector<16x128xi32>
    %ne3A_34 = arith.constant 0 : i32
    %ne3A_35 = vector.broadcast %ne3A_34 : i32 to vector<16x128xi32>
    %ne3A_36 = arith.cmpi ne, %rem3A_33, %ne3A_35 : vector<16x128xi32>
    %and3A = arith.andi %ne3A_32, %ne3A_36 : vector<16x128xi1>
    %sub3A = arith.constant 1 : i32
    %sub3A_37 = vector.broadcast %sub3A : i32 to vector<16x128xi32>
    %sub3A_38 = arith.subi %div3A_16, %sub3A_37 : vector<16x128xi32>
    %select_n3A_39 = arith.select %and3A, %sub3A_38, %div3A_16 : vector<16x128xi1>, vector<16x128xi32>
    %eq3A_40 = arith.cmpi eq, %select_n3A_39, %iota3A : vector<16x128xi32>
    %convert_element_type3A = arith.extui %eq3A_40 : vector<16x128xi1> to vector<16x128xi32>
    %convert_element_type3A_41 = arith.sitofp %convert_element_type3A : vector<16x128xi32> to vector<16x128xf32>
    %dot_general3A = arith.constant dense<0.000000e+00> : vector<1000x128xf32>
    %dot_general3A_42 = tpu.matmul %select_n3A, %convert_element_type3A_41, %dot_general3A {dimension_numbers = #tpu.dot_dimension_numbers<[1], [0], [0], [1], [0, 0, 1, 1], [], []>, transpose_lhs_hint = false} : vector<1000x16xf32>, vector<16x128xf32>, vector<1000x128xf32> -> vector<1000x128xf32>
    %div3A_43 = arith.divf %add3A, %dot_general3A_42 : vector<1000x128xf32>
    %get3A_44 = arith.constant 0 : index
    %get3A_45 = arith.constant 0 : index
    %get3A_46 = vector.load %arg6[%get3A_44, %get3A_45] : memref<128x128xf32, #tpu.memory_space<vmem>>, vector<128x128xf32>
    %dot_general3A_47 = arith.constant dense<0.000000e+00> : vector<1000x128xf32>
    %dot_general3A_48 = tpu.matmul %div3A_43, %get3A_46, %dot_general3A_47 {dimension_numbers = #tpu.dot_dimension_numbers<[1], [0], [0], [1], [0, 0, 1, 1], [], []>, transpose_lhs_hint = false} : vector<1000x128xf32>, vector<128x128xf32>, vector<1000x128xf32> -> vector<1000x128xf32>
    %get3A_49 = arith.constant 0 : index
    %get3A_50 = arith.constant 0 : index
    %get3A_51 = vector.load %arg7[%get3A_49, %get3A_50] : memref<1x128xf32, #tpu.memory_space<vmem>>, vector<1x128xf32>
    %add3A_52 = vector.broadcast %get3A_51 : vector<1x128xf32> to vector<1000x128xf32>
    %add3A_53 = arith.addf %dot_general3A_48, %add3A_52 : vector<1000x128xf32>
    %get3A_54 = arith.constant 0 : index
    %get3A_55 = arith.constant 0 : index
    %get3A_56 = vector.load %arg5[%get3A_54, %get3A_55] : memref<1000x128xf32, #tpu.memory_space<vmem>>, vector<1000x128xf32>
    %add3A_57 = arith.addf %get3A_56, %add3A_53 : vector<1000x128xf32>
    %get3A_58 = arith.constant 0 : index
    %get3A_59 = arith.constant 0 : index
    %get3A_60 = vector.load %arg8[%get3A_58, %get3A_59] : memref<1x128xf32, #tpu.memory_space<vmem>>, vector<1x128xf32>
    %get3A_61 = arith.constant 0 : index
    %get3A_62 = arith.constant 0 : index
    %get3A_63 = vector.load %arg9[%get3A_61, %get3A_62] : memref<1x128xf32, #tpu.memory_space<vmem>>, vector<1x128xf32>
    %reduce_sum3A = arith.constant dense<0.000000e+00> : vector<1000xf32>
    %reduce_sum3A_64 = vector.multi_reduction <add>, %add3A_57, %reduce_sum3A [1] : vector<1000x128xf32> to vector<1000xf32>
    %broadcast_in_dim3A_65 = vector.shape_cast %reduce_sum3A_64 : vector<1000xf32> to vector<1000x1xf32>
    %div3A_66 = arith.constant 1.280000e+02 : f32
    %div3A_67 = vector.broadcast %div3A_66 : f32 to vector<1000x1xf32>
    %div3A_68 = arith.divf %broadcast_in_dim3A_65, %div3A_67 : vector<1000x1xf32>
    %jit3A_69 = arith.constant 0 : i32
    %reduce_sum3A_70 = arith.constant dense<0.000000e+00> : vector<1000xf32>
    %reduce_sum3A_71 = vector.multi_reduction <add>, %add3A_57, %reduce_sum3A_70 [1] : vector<1000x128xf32> to vector<1000xf32>
    %broadcast_in_dim3A_72 = vector.shape_cast %reduce_sum3A_71 : vector<1000xf32> to vector<1000x1xf32>
    %div3A_73 = arith.constant 1.280000e+02 : f32
    %div3A_74 = vector.broadcast %div3A_73 : f32 to vector<1000x1xf32>
    %div3A_75 = arith.divf %broadcast_in_dim3A_72, %div3A_74 : vector<1000x1xf32>
    %sub3A_76 = vector.broadcast %div3A_75 : vector<1000x1xf32> to vector<1000x128xf32>
    %sub3A_77 = arith.subf %add3A_57, %sub3A_76 : vector<1000x128xf32>
    %square3A = arith.mulf %sub3A_77, %sub3A_77 : vector<1000x128xf32>
    %convert_element_type3A_78 = arith.sitofp %jit3A_69 : i32 to f32
    %sub3A_79 = arith.constant 1.280000e+02 : f32
    %sub3A_80 = arith.subf %sub3A_79, %convert_element_type3A_78 : f32
    %reduce_sum3A_81 = arith.constant dense<0.000000e+00> : vector<1000xf32>
    %reduce_sum3A_82 = vector.multi_reduction <add>, %square3A, %reduce_sum3A_81 [1] : vector<1000x128xf32> to vector<1000xf32>
    %broadcast_in_dim3A_83 = vector.shape_cast %reduce_sum3A_82 : vector<1000xf32> to vector<1000x1xf32>
    %div3A_84 = vector.broadcast %sub3A_80 : f32 to vector<1000x1xf32>
    %div3A_85 = arith.divf %broadcast_in_dim3A_83, %div3A_84 : vector<1000x1xf32>
    %gt3A = arith.constant 0.000000e+00 : f32
    %gt3A_86 = arith.cmpf ogt, %sub3A_80, %gt3A : f32
    %jit3A_87 = arith.constant 0x7FC00000 : f32
    %broadcast_in_dim3A_88 = vector.broadcast %jit3A_87 : f32 to vector<1000x1xf32>
    %select_n3A_89 = arith.select %gt3A_86, %div3A_85, %broadcast_in_dim3A_88 : vector<1000x1xf32>
    %sub3A_90 = vector.broadcast %div3A_68 : vector<1000x1xf32> to vector<1000x128xf32>
    %sub3A_91 = arith.subf %add3A_57, %sub3A_90 : vector<1000x128xf32>
    %add3A_92 = arith.constant 9.99999997E-7 : f32
    %add3A_93 = vector.broadcast %add3A_92 : f32 to vector<1000x1xf32>
    %add3A_94 = arith.addf %select_n3A_89, %add3A_93 : vector<1000x1xf32>
    %sqrt3A = math.sqrt %add3A_94 : vector<1000x1xf32>
    %div3A_95 = vector.broadcast %sqrt3A : vector<1000x1xf32> to vector<1000x128xf32>
    %div3A_96 = arith.divf %sub3A_91, %div3A_95 : vector<1000x128xf32>
    %mul3A = vector.broadcast %get3A_60 : vector<1x128xf32> to vector<1000x128xf32>
    %mul3A_97 = arith.mulf %div3A_96, %mul3A : vector<1000x128xf32>
    %add3A_98 = vector.broadcast %get3A_63 : vector<1x128xf32> to vector<1000x128xf32>
    %add3A_99 = arith.addf %mul3A_97, %add3A_98 : vector<1000x128xf32>
    %get3A_100 = arith.constant 0 : index
    %get3A_101 = arith.constant 0 : index
    %get3A_102 = vector.load %arg10[%get3A_100, %get3A_101] : memref<128x128xf32, #tpu.memory_space<vmem>>, vector<128x128xf32>
    %dot_general3A_103 = arith.constant dense<0.000000e+00> : vector<1000x128xf32>
    %dot_general3A_104 = tpu.matmul %add3A_99, %get3A_102, %dot_general3A_103 {dimension_numbers = #tpu.dot_dimension_numbers<[1], [0], [0], [1], [0, 0, 1, 1], [], []>, transpose_lhs_hint = false} : vector<1000x128xf32>, vector<128x128xf32>, vector<1000x128xf32> -> vector<1000x128xf32>
    %get3A_105 = arith.constant 0 : index
    %get3A_106 = arith.constant 0 : index
    %get3A_107 = vector.load %arg11[%get3A_105, %get3A_106] : memref<1x128xf32, #tpu.memory_space<vmem>>, vector<1x128xf32>
    %add3A_108 = vector.broadcast %get3A_107 : vector<1x128xf32> to vector<1000x128xf32>
    %add3A_109 = arith.addf %dot_general3A_104, %add3A_108 : vector<1000x128xf32>
    %add3A_110 = arith.addf %add3A_109, %add3A_99 : vector<1000x128xf32>
    %get3A_111 = arith.constant 0 : index
    %get3A_112 = arith.constant 0 : index
    %get3A_113 = vector.load %arg12[%get3A_111, %get3A_112] : memref<1x128xf32, #tpu.memory_space<vmem>>, vector<1x128xf32>
    %get3A_114 = arith.constant 0 : index
    %get3A_115 = arith.constant 0 : index
    %get3A_116 = vector.load %arg13[%get3A_114, %get3A_115] : memref<1x128xf32, #tpu.memory_space<vmem>>, vector<1x128xf32>
    %reduce_sum3A_117 = arith.constant dense<0.000000e+00> : vector<1000xf32>
    %reduce_sum3A_118 = vector.multi_reduction <add>, %add3A_110, %reduce_sum3A_117 [1] : vector<1000x128xf32> to vector<1000xf32>
    %broadcast_in_dim3A_119 = vector.shape_cast %reduce_sum3A_118 : vector<1000xf32> to vector<1000x1xf32>
    %div3A_120 = arith.constant 1.280000e+02 : f32
    %div3A_121 = vector.broadcast %div3A_120 : f32 to vector<1000x1xf32>
    %div3A_122 = arith.divf %broadcast_in_dim3A_119, %div3A_121 : vector<1000x1xf32>
    %jit3A_123 = arith.constant 0 : i32
    %reduce_sum3A_124 = arith.constant dense<0.000000e+00> : vector<1000xf32>
    %reduce_sum3A_125 = vector.multi_reduction <add>, %add3A_110, %reduce_sum3A_124 [1] : vector<1000x128xf32> to vector<1000xf32>
    %broadcast_in_dim3A_126 = vector.shape_cast %reduce_sum3A_125 : vector<1000xf32> to vector<1000x1xf32>
    %div3A_127 = arith.constant 1.280000e+02 : f32
    %div3A_128 = vector.broadcast %div3A_127 : f32 to vector<1000x1xf32>
    %div3A_129 = arith.divf %broadcast_in_dim3A_126, %div3A_128 : vector<1000x1xf32>
    %sub3A_130 = vector.broadcast %div3A_129 : vector<1000x1xf32> to vector<1000x128xf32>
    %sub3A_131 = arith.subf %add3A_110, %sub3A_130 : vector<1000x128xf32>
    %square3A_132 = arith.mulf %sub3A_131, %sub3A_131 : vector<1000x128xf32>
    %convert_element_type3A_133 = arith.sitofp %jit3A_123 : i32 to f32
    %sub3A_134 = arith.constant 1.280000e+02 : f32
    %sub3A_135 = arith.subf %sub3A_134, %convert_element_type3A_133 : f32
    %reduce_sum3A_136 = arith.constant dense<0.000000e+00> : vector<1000xf32>
    %reduce_sum3A_137 = vector.multi_reduction <add>, %square3A_132, %reduce_sum3A_136 [1] : vector<1000x128xf32> to vector<1000xf32>
    %broadcast_in_dim3A_138 = vector.shape_cast %reduce_sum3A_137 : vector<1000xf32> to vector<1000x1xf32>
    %div3A_139 = vector.broadcast %sub3A_135 : f32 to vector<1000x1xf32>
    %div3A_140 = arith.divf %broadcast_in_dim3A_138, %div3A_139 : vector<1000x1xf32>
    %gt3A_141 = arith.constant 0.000000e+00 : f32
    %gt3A_142 = arith.cmpf ogt, %sub3A_135, %gt3A_141 : f32
    %jit3A_143 = arith.constant 0x7FC00000 : f32
    %broadcast_in_dim3A_144 = vector.broadcast %jit3A_143 : f32 to vector<1000x1xf32>
    %select_n3A_145 = arith.select %gt3A_142, %div3A_140, %broadcast_in_dim3A_144 : vector<1000x1xf32>
    %sub3A_146 = vector.broadcast %div3A_122 : vector<1000x1xf32> to vector<1000x128xf32>
    %sub3A_147 = arith.subf %add3A_110, %sub3A_146 : vector<1000x128xf32>
    %add3A_148 = arith.constant 9.99999997E-7 : f32
    %add3A_149 = vector.broadcast %add3A_148 : f32 to vector<1000x1xf32>
    %add3A_150 = arith.addf %select_n3A_145, %add3A_149 : vector<1000x1xf32>
    %sqrt3A_151 = math.sqrt %add3A_150 : vector<1000x1xf32>
    %div3A_152 = vector.broadcast %sqrt3A_151 : vector<1000x1xf32> to vector<1000x128xf32>
    %div3A_153 = arith.divf %sub3A_147, %div3A_152 : vector<1000x128xf32>
    %mul3A_154 = vector.broadcast %get3A_113 : vector<1x128xf32> to vector<1000x128xf32>
    %mul3A_155 = arith.mulf %div3A_153, %mul3A_154 : vector<1000x128xf32>
    %add3A_156 = vector.broadcast %get3A_116 : vector<1x128xf32> to vector<1000x128xf32>
    %add3A_157 = arith.addf %mul3A_155, %add3A_156 : vector<1000x128xf32>
    %logistic3A = arith.negf %add3A_157 : vector<1000x128xf32>
    %logistic3A_158 = math.exp %logistic3A : vector<1000x128xf32>
    %logistic3A_159 = arith.constant 1.000000e+00 : f32
    %logistic3A_160 = vector.broadcast %logistic3A_159 : f32 to vector<1000x128xf32>
    %logistic3A_161 = arith.addf %logistic3A_160, %logistic3A_158 : vector<1000x128xf32>
    %logistic3A_162 = arith.divf %logistic3A_160, %logistic3A_161 : vector<1000x128xf32>
    %mul3A_163 = arith.mulf %add3A_157, %logistic3A_162 : vector<1000x128xf32>
    %get3A_164 = arith.constant 0 : index
    %get3A_165 = arith.constant 0 : index
    %get3A_166 = vector.load %arg14[%get3A_164, %get3A_165] : memref<128x128xf32, #tpu.memory_space<vmem>>, vector<128x128xf32>
    %dot_general3A_167 = arith.constant dense<0.000000e+00> : vector<1000x128xf32>
    %dot_general3A_168 = tpu.matmul %mul3A_163, %get3A_166, %dot_general3A_167 {dimension_numbers = #tpu.dot_dimension_numbers<[1], [0], [0], [1], [0, 0, 1, 1], [], []>, transpose_lhs_hint = false} : vector<1000x128xf32>, vector<128x128xf32>, vector<1000x128xf32> -> vector<1000x128xf32>
    %get3A_169 = arith.constant 0 : index
    %get3A_170 = arith.constant 0 : index
    %get3A_171 = vector.load %arg15[%get3A_169, %get3A_170] : memref<1x128xf32, #tpu.memory_space<vmem>>, vector<1x128xf32>
    %add3A_172 = vector.broadcast %get3A_171 : vector<1x128xf32> to vector<1000x128xf32>
    %add3A_173 = arith.addf %dot_general3A_168, %add3A_172 : vector<1000x128xf32>
    %swap3A = arith.constant 0 : index
    %swap3A_174 = arith.constant 0 : index
    %swap3A_175 = vector.load %arg16[%swap3A, %swap3A_174] : memref<1000x128xf32, #tpu.memory_space<vmem>>, vector<1000x128xf32>
    tpu.vector_store %arg16[%swap3A, %swap3A_174], %add3A_173 {strides = array<i32>} : memref<1000x128xf32, #tpu.memory_space<vmem>>, vector<1000x128xf32>,
    return
  }
  func.func @transform_0(%arg0: i32) -> (i32, i32) {
    %c0_i32 = arith.constant 0 : i32
    %c0_i32_0 = arith.constant 0 : i32
    return %arg0, %c0_i32 : i32, i32
  }
  func.func @transform_1(%arg0: i32) -> (i32, i32) {
    %c0_i32 = arith.constant 0 : i32
    %c0_i32_0 = arith.constant 0 : i32
    return %arg0, %c0_i32 : i32, i32
  }
  func.func @transform_2(%arg0: i32) -> (i32, i32) {
    %c0_i32 = arith.constant 0 : i32
    %c0_i32_0 = arith.constant 0 : i32
    return %arg0, %c0_i32 : i32, i32
  }
  func.func @transform_3(%arg0: i32) -> (i32, i32) {
    %c0_i32 = arith.constant 0 : i32
    %c0_i32_0 = arith.constant 0 : i32
    return %arg0, %c0_i32 : i32, i32
  }
  func.func @transform_4(%arg0: i32) -> (i32, i32) {
    %c0_i32 = arith.constant 0 : i32
    %c0_i32_0 = arith.constant 0 : i32
    return %arg0, %c0_i32 : i32, i32
  }
  func.func @transform_5(%arg0: i32) -> (i32, i32) {
    %c0_i32 = arith.constant 0 : i32
    %c0_i32_0 = arith.constant 0 : i32
    %c0_i32_1 = arith.constant 0 : i32
    return %c0_i32, %c0_i32_0 : i32, i32
  }
  func.func @transform_6(%arg0: i32) -> (i32, i32) {
    %c0_i32 = arith.constant 0 : i32
    %c0_i32_0 = arith.constant 0 : i32
    %c0_i32_1 = arith.constant 0 : i32
    return %c0_i32, %c0_i32_0 : i32, i32
  }
  func.func @transform_7(%arg0: i32) -> (i32, i32) {
    %c0_i32 = arith.constant 0 : i32
    %c0_i32_0 = arith.constant 0 : i32
    %c0_i32_1 = arith.constant 0 : i32
    return %c0_i32, %c0_i32_0 : i32, i32
  }
  func.func @transform_8(%arg0: i32) -> (i32, i32) {
    %c0_i32 = arith.constant 0 : i32
    %c0_i32_0 = arith.constant 0 : i32
    %c0_i32_1 = arith.constant 0 : i32
    return %c0_i32, %c0_i32_0 : i32, i32
  }
  func.func @transform_9(%arg0: i32) -> (i32, i32) {
    %c0_i32 = arith.constant 0 : i32
    %c0_i32_0 = arith.constant 0 : i32
    %c0_i32_1 = arith.constant 0 : i32
    return %c0_i32, %c0_i32_0 : i32, i32
  }
  func.func @transform_10(%arg0: i32) -> (i32, i32) {
    %c0_i32 = arith.constant 0 : i32
    %c0_i32_0 = arith.constant 0 : i32
    %c0_i32_1 = arith.constant 0 : i32
    return %c0_i32, %c0_i32_0 : i32, i32
  }
  func.func @transform_11(%arg0: i32) -> (i32, i32) {
    %c0_i32 = arith.constant 0 : i32
    %c0_i32_0 = arith.constant 0 : i32
    %c0_i32_1 = arith.constant 0 : i32
    return %c0_i32, %c0_i32_0 : i32, i32
  }
  func.func @transform_12(%arg0: i32) -> (i32, i32) {
    %c0_i32 = arith.constant 0 : i32
    %c0_i32_0 = arith.constant 0 : i32
    %c0_i32_1 = arith.constant 0 : i32
    return %c0_i32, %c0_i32_0 : i32, i32
  }
  func.func @transform_13(%arg0: i32) -> (i32, i32) {
    %c0_i32 = arith.constant 0 : i32
    %c0_i32_0 = arith.constant 0 : i32
    %c0_i32_1 = arith.constant 0 : i32
    return %c0_i32, %c0_i32_0 : i32, i32
  }
  func.func @transform_14(%arg0: i32) -> (i32, i32) {
    %c0_i32 = arith.constant 0 : i32
    %c0_i32_0 = arith.constant 0 : i32
    %c0_i32_1 = arith.constant 0 : i32
    return %c0_i32, %c0_i32_0 : i32, i32
  }
  func.func @transform_15(%arg0: i32) -> (i32, i32) {
    %c0_i32 = arith.constant 0 : i32
    %c0_i32_0 = arith.constant 0 : i32
    return %arg0, %c0_i32 : i32, i32
  }
}

module attributes {stable_mosaic.version = 14 : i64} {
  func.func @_edge_epi_body(%arg0: i32, %arg1: memref<1600x128xf32, #tpu.memory_space<vmem>>, %arg2: memref<1600x16xf32, #tpu.memory_space<vmem>>, %arg3: memref<1600x128xf32, #tpu.memory_space<vmem>>, %arg4: memref<128x16xf32, #tpu.memory_space<vmem>>, %arg5: memref<16x16xf32, #tpu.memory_space<vmem>>, %arg6: memref<128x16xf32, #tpu.memory_space<vmem>>, %arg7: memref<1x16xf32, #tpu.memory_space<vmem>>, %arg8: memref<1x16xf32, #tpu.memory_space<vmem>>, %arg9: memref<1x16xf32, #tpu.memory_space<vmem>>, %arg10: memref<16x16xf32, #tpu.memory_space<vmem>>, %arg11: memref<1x16xf32, #tpu.memory_space<vmem>>, %arg12: memref<1600x16xf32, #tpu.memory_space<vmem>>) attributes {dimension_semantics = [#tpu.dimension_semantics<arbitrary>], iteration_bounds = array<i64: 200>, scalar_prefetch = 0 : i64, scratch_operands = 0 : i64, tpu.core_type = #tpu.core_type<tc>, window_params = [{transform_indices = @transform_0, window_bounds = array<i64: 1600, 128>}, {transform_indices = @transform_1, window_bounds = array<i64: 1600, 16>}, {transform_indices = @transform_2, window_bounds = array<i64: 1600, 128>}, {pipeline_mode = #tpu.pipeline_mode<synchronous>, transform_indices = @transform_3, window_bounds = array<i64: 128, 16>}, {pipeline_mode = #tpu.pipeline_mode<synchronous>, transform_indices = @transform_4, window_bounds = array<i64: 16, 16>}, {pipeline_mode = #tpu.pipeline_mode<synchronous>, transform_indices = @transform_5, window_bounds = array<i64: 128, 16>}, {pipeline_mode = #tpu.pipeline_mode<synchronous>, transform_indices = @transform_6, window_bounds = array<i64: 1, 16>}, {pipeline_mode = #tpu.pipeline_mode<synchronous>, transform_indices = @transform_7, window_bounds = array<i64: 1, 16>}, {pipeline_mode = #tpu.pipeline_mode<synchronous>, transform_indices = @transform_8, window_bounds = array<i64: 1, 16>}, {pipeline_mode = #tpu.pipeline_mode<synchronous>, transform_indices = @transform_9, window_bounds = array<i64: 16, 16>}, {pipeline_mode = #tpu.pipeline_mode<synchronous>, transform_indices = @transform_10, window_bounds = array<i64: 1, 16>}, {transform_indices = @transform_11, window_bounds = array<i64: 1600, 16>}]} {
    %get3A = arith.constant 0 : index
    %get3A_0 = arith.constant 0 : index
    %get3A_1 = vector.load %arg1[%get3A, %get3A_0] : memref<1600x128xf32, #tpu.memory_space<vmem>>, vector<1600x128xf32>
    %convert_element_type3A = arith.truncf %get3A_1 : vector<1600x128xf32> to vector<1600x128xbf16>
    %get3A_2 = arith.constant 0 : index
    %get3A_3 = arith.constant 0 : index
    %get3A_4 = vector.load %arg4[%get3A_2, %get3A_3] : memref<128x16xf32, #tpu.memory_space<vmem>>, vector<128x16xf32>
    %convert_element_type3A_5 = arith.truncf %get3A_4 : vector<128x16xf32> to vector<128x16xbf16>
    %dot_general3A = arith.constant dense<0.000000e+00> : vector<1600x16xf32>
    %dot_general3A_6 = tpu.matmul %convert_element_type3A, %convert_element_type3A_5, %dot_general3A {dimension_numbers = #tpu.dot_dimension_numbers<[1], [0], [0], [1], [0, 0, 1, 1], [], []>, transpose_lhs_hint = false} : vector<1600x128xbf16>, vector<128x16xbf16>, vector<1600x16xf32> -> vector<1600x16xf32>
    %get3A_7 = arith.constant 0 : index
    %get3A_8 = arith.constant 0 : index
    %get3A_9 = vector.load %arg2[%get3A_7, %get3A_8] : memref<1600x16xf32, #tpu.memory_space<vmem>>, vector<1600x16xf32>
    %convert_element_type3A_10 = arith.truncf %get3A_9 : vector<1600x16xf32> to vector<1600x16xbf16>
    %get3A_11 = arith.constant 0 : index
    %get3A_12 = arith.constant 0 : index
    %get3A_13 = vector.load %arg5[%get3A_11, %get3A_12] : memref<16x16xf32, #tpu.memory_space<vmem>>, vector<16x16xf32>
    %convert_element_type3A_14 = arith.truncf %get3A_13 : vector<16x16xf32> to vector<16x16xbf16>
    %dot_general3A_15 = arith.constant dense<0.000000e+00> : vector<1600x16xf32>
    %dot_general3A_16 = tpu.matmul %convert_element_type3A_10, %convert_element_type3A_14, %dot_general3A_15 {dimension_numbers = #tpu.dot_dimension_numbers<[1], [0], [0], [1], [0, 0, 1, 1], [], []>, transpose_lhs_hint = false} : vector<1600x16xbf16>, vector<16x16xbf16>, vector<1600x16xf32> -> vector<1600x16xf32>
    %add3A = arith.addf %dot_general3A_6, %dot_general3A_16 : vector<1600x16xf32>
    %get3A_17 = arith.constant 0 : index
    %get3A_18 = arith.constant 0 : index
    %get3A_19 = vector.load %arg3[%get3A_17, %get3A_18] : memref<1600x128xf32, #tpu.memory_space<vmem>>, vector<1600x128xf32>
    %convert_element_type3A_20 = arith.truncf %get3A_19 : vector<1600x128xf32> to vector<1600x128xbf16>
    %get3A_21 = arith.constant 0 : index
    %get3A_22 = arith.constant 0 : index
    %get3A_23 = vector.load %arg6[%get3A_21, %get3A_22] : memref<128x16xf32, #tpu.memory_space<vmem>>, vector<128x16xf32>
    %convert_element_type3A_24 = arith.truncf %get3A_23 : vector<128x16xf32> to vector<128x16xbf16>
    %dot_general3A_25 = arith.constant dense<0.000000e+00> : vector<1600x16xf32>
    %dot_general3A_26 = tpu.matmul %convert_element_type3A_20, %convert_element_type3A_24, %dot_general3A_25 {dimension_numbers = #tpu.dot_dimension_numbers<[1], [0], [0], [1], [0, 0, 1, 1], [], []>, transpose_lhs_hint = false} : vector<1600x128xbf16>, vector<128x16xbf16>, vector<1600x16xf32> -> vector<1600x16xf32>
    %add3A_27 = arith.addf %add3A, %dot_general3A_26 : vector<1600x16xf32>
    %get3A_28 = arith.constant 0 : index
    %get3A_29 = arith.constant 0 : index
    %get3A_30 = vector.load %arg7[%get3A_28, %get3A_29] : memref<1x16xf32, #tpu.memory_space<vmem>>, vector<1x16xf32>
    %add3A_31 = vector.broadcast %get3A_30 : vector<1x16xf32> to vector<1600x16xf32>
    %add3A_32 = arith.addf %add3A_27, %add3A_31 : vector<1600x16xf32>
    %get3A_33 = arith.constant 0 : index
    %get3A_34 = arith.constant 0 : index
    %get3A_35 = vector.load %arg8[%get3A_33, %get3A_34] : memref<1x16xf32, #tpu.memory_space<vmem>>, vector<1x16xf32>
    %get3A_36 = arith.constant 0 : index
    %get3A_37 = arith.constant 0 : index
    %get3A_38 = vector.load %arg9[%get3A_36, %get3A_37] : memref<1x16xf32, #tpu.memory_space<vmem>>, vector<1x16xf32>
    %reduce_sum3A = arith.constant dense<0.000000e+00> : vector<1600xf32>
    %reduce_sum3A_39 = vector.multi_reduction <add>, %add3A_32, %reduce_sum3A [1] : vector<1600x16xf32> to vector<1600xf32>
    %broadcast_in_dim3A = vector.shape_cast %reduce_sum3A_39 : vector<1600xf32> to vector<1600x1xf32>
    %div3A = arith.constant 1.600000e+01 : f32
    %div3A_40 = vector.broadcast %div3A : f32 to vector<1600x1xf32>
    %div3A_41 = arith.divf %broadcast_in_dim3A, %div3A_40 : vector<1600x1xf32>
    %jit3A = arith.constant 0 : i32
    %reduce_sum3A_42 = arith.constant dense<0.000000e+00> : vector<1600xf32>
    %reduce_sum3A_43 = vector.multi_reduction <add>, %add3A_32, %reduce_sum3A_42 [1] : vector<1600x16xf32> to vector<1600xf32>
    %broadcast_in_dim3A_44 = vector.shape_cast %reduce_sum3A_43 : vector<1600xf32> to vector<1600x1xf32>
    %div3A_45 = arith.constant 1.600000e+01 : f32
    %div3A_46 = vector.broadcast %div3A_45 : f32 to vector<1600x1xf32>
    %div3A_47 = arith.divf %broadcast_in_dim3A_44, %div3A_46 : vector<1600x1xf32>
    %sub3A = vector.broadcast %div3A_47 : vector<1600x1xf32> to vector<1600x16xf32>
    %sub3A_48 = arith.subf %add3A_32, %sub3A : vector<1600x16xf32>
    %square3A = arith.mulf %sub3A_48, %sub3A_48 : vector<1600x16xf32>
    %convert_element_type3A_49 = arith.sitofp %jit3A : i32 to f32
    %sub3A_50 = arith.constant 1.600000e+01 : f32
    %sub3A_51 = arith.subf %sub3A_50, %convert_element_type3A_49 : f32
    %reduce_sum3A_52 = arith.constant dense<0.000000e+00> : vector<1600xf32>
    %reduce_sum3A_53 = vector.multi_reduction <add>, %square3A, %reduce_sum3A_52 [1] : vector<1600x16xf32> to vector<1600xf32>
    %broadcast_in_dim3A_54 = vector.shape_cast %reduce_sum3A_53 : vector<1600xf32> to vector<1600x1xf32>
    %div3A_55 = vector.broadcast %sub3A_51 : f32 to vector<1600x1xf32>
    %div3A_56 = arith.divf %broadcast_in_dim3A_54, %div3A_55 : vector<1600x1xf32>
    %gt3A = arith.constant 0.000000e+00 : f32
    %gt3A_57 = arith.cmpf ogt, %sub3A_51, %gt3A : f32
    %jit3A_58 = arith.constant 0x7FC00000 : f32
    %broadcast_in_dim3A_59 = vector.broadcast %jit3A_58 : f32 to vector<1600x1xf32>
    %select_n3A = arith.select %gt3A_57, %div3A_56, %broadcast_in_dim3A_59 : vector<1600x1xf32>
    %sub3A_60 = vector.broadcast %div3A_41 : vector<1600x1xf32> to vector<1600x16xf32>
    %sub3A_61 = arith.subf %add3A_32, %sub3A_60 : vector<1600x16xf32>
    %add3A_62 = arith.constant 9.99999997E-7 : f32
    %add3A_63 = vector.broadcast %add3A_62 : f32 to vector<1600x1xf32>
    %add3A_64 = arith.addf %select_n3A, %add3A_63 : vector<1600x1xf32>
    %sqrt3A = math.sqrt %add3A_64 : vector<1600x1xf32>
    %div3A_65 = vector.broadcast %sqrt3A : vector<1600x1xf32> to vector<1600x16xf32>
    %div3A_66 = arith.divf %sub3A_61, %div3A_65 : vector<1600x16xf32>
    %mul3A = vector.broadcast %get3A_35 : vector<1x16xf32> to vector<1600x16xf32>
    %mul3A_67 = arith.mulf %div3A_66, %mul3A : vector<1600x16xf32>
    %add3A_68 = vector.broadcast %get3A_38 : vector<1x16xf32> to vector<1600x16xf32>
    %add3A_69 = arith.addf %mul3A_67, %add3A_68 : vector<1600x16xf32>
    %logistic3A = arith.negf %add3A_69 : vector<1600x16xf32>
    %logistic3A_70 = math.exp %logistic3A : vector<1600x16xf32>
    %logistic3A_71 = arith.constant 1.000000e+00 : f32
    %logistic3A_72 = vector.broadcast %logistic3A_71 : f32 to vector<1600x16xf32>
    %logistic3A_73 = arith.addf %logistic3A_72, %logistic3A_70 : vector<1600x16xf32>
    %logistic3A_74 = arith.divf %logistic3A_72, %logistic3A_73 : vector<1600x16xf32>
    %mul3A_75 = arith.mulf %add3A_69, %logistic3A_74 : vector<1600x16xf32>
    %get3A_76 = arith.constant 0 : index
    %get3A_77 = arith.constant 0 : index
    %get3A_78 = vector.load %arg10[%get3A_76, %get3A_77] : memref<16x16xf32, #tpu.memory_space<vmem>>, vector<16x16xf32>
    %dot_general3A_79 = arith.constant dense<0.000000e+00> : vector<1600x16xf32>
    %dot_general3A_80 = tpu.matmul %mul3A_75, %get3A_78, %dot_general3A_79 {dimension_numbers = #tpu.dot_dimension_numbers<[1], [0], [0], [1], [0, 0, 1, 1], [], []>, transpose_lhs_hint = false} : vector<1600x16xf32>, vector<16x16xf32>, vector<1600x16xf32> -> vector<1600x16xf32>
    %get3A_81 = arith.constant 0 : index
    %get3A_82 = arith.constant 0 : index
    %get3A_83 = vector.load %arg11[%get3A_81, %get3A_82] : memref<1x16xf32, #tpu.memory_space<vmem>>, vector<1x16xf32>
    %add3A_84 = vector.broadcast %get3A_83 : vector<1x16xf32> to vector<1600x16xf32>
    %add3A_85 = arith.addf %dot_general3A_80, %add3A_84 : vector<1600x16xf32>
    %swap3A = arith.constant 0 : index
    %swap3A_86 = arith.constant 0 : index
    %swap3A_87 = vector.load %arg12[%swap3A, %swap3A_86] : memref<1600x16xf32, #tpu.memory_space<vmem>>, vector<1600x16xf32>
    tpu.vector_store %arg12[%swap3A, %swap3A_86], %add3A_85 {strides = array<i32>} : memref<1600x16xf32, #tpu.memory_space<vmem>>, vector<1600x16xf32>,
    return
  }
  func.func @transform_0(%arg0: i32) -> (i32, i32) {
    %c0_i32 = arith.constant 0 : i32
    %c0_i32_0 = arith.constant 0 : i32
    return %arg0, %c0_i32 : i32, i32
  }
  func.func @transform_1(%arg0: i32) -> (i32, i32) {
    %c0_i32 = arith.constant 0 : i32
    %c0_i32_0 = arith.constant 0 : i32
    return %arg0, %c0_i32 : i32, i32
  }
  func.func @transform_2(%arg0: i32) -> (i32, i32) {
    %c0_i32 = arith.constant 0 : i32
    %c0_i32_0 = arith.constant 0 : i32
    return %arg0, %c0_i32 : i32, i32
  }
  func.func @transform_3(%arg0: i32) -> (i32, i32) {
    %c0_i32 = arith.constant 0 : i32
    %c0_i32_0 = arith.constant 0 : i32
    %c0_i32_1 = arith.constant 0 : i32
    return %c0_i32, %c0_i32_0 : i32, i32
  }
  func.func @transform_4(%arg0: i32) -> (i32, i32) {
    %c0_i32 = arith.constant 0 : i32
    %c0_i32_0 = arith.constant 0 : i32
    %c0_i32_1 = arith.constant 0 : i32
    return %c0_i32, %c0_i32_0 : i32, i32
  }
  func.func @transform_5(%arg0: i32) -> (i32, i32) {
    %c0_i32 = arith.constant 0 : i32
    %c0_i32_0 = arith.constant 0 : i32
    %c0_i32_1 = arith.constant 0 : i32
    return %c0_i32, %c0_i32_0 : i32, i32
  }
  func.func @transform_6(%arg0: i32) -> (i32, i32) {
    %c0_i32 = arith.constant 0 : i32
    %c0_i32_0 = arith.constant 0 : i32
    %c0_i32_1 = arith.constant 0 : i32
    return %c0_i32, %c0_i32_0 : i32, i32
  }
  func.func @transform_7(%arg0: i32) -> (i32, i32) {
    %c0_i32 = arith.constant 0 : i32
    %c0_i32_0 = arith.constant 0 : i32
    %c0_i32_1 = arith.constant 0 : i32
    return %c0_i32, %c0_i32_0 : i32, i32
  }
  func.func @transform_8(%arg0: i32) -> (i32, i32) {
    %c0_i32 = arith.constant 0 : i32
    %c0_i32_0 = arith.constant 0 : i32
    %c0_i32_1 = arith.constant 0 : i32
    return %c0_i32, %c0_i32_0 : i32, i32
  }
  func.func @transform_9(%arg0: i32) -> (i32, i32) {
    %c0_i32 = arith.constant 0 : i32
    %c0_i32_0 = arith.constant 0 : i32
    %c0_i32_1 = arith.constant 0 : i32
    return %c0_i32, %c0_i32_0 : i32, i32
  }
  func.func @transform_10(%arg0: i32) -> (i32, i32) {
    %c0_i32 = arith.constant 0 : i32
    %c0_i32_0 = arith.constant 0 : i32
    %c0_i32_1 = arith.constant 0 : i32
    return %c0_i32, %c0_i32_0 : i32, i32
  }
  func.func @transform_11(%arg0: i32) -> (i32, i32) {
    %c0_i32 = arith.constant 0 : i32
    %c0_i32_0 = arith.constant 0 : i32
    return %arg0, %c0_i32 : i32, i32
  }
}

</mosaic_0001>

<sc_bundles>
// kernel: kernel.11.cloned.1.call-start
scs
__scs_entry_jumppad:
0x0: {  	(pc) =	sbr.rel $0x88, $3  }
0x1: {  	(tag) =	ssettag $0x0;
	lr =	simm.s32 $0x1  }
0x2: {  	[smem:$0x3F87] =	sst lr;
	_ =	strace $0xD0000000  }
0x3: {  	_ = 	snop  }
0x4: {  	_ = 	snop  }
0x5: {  	_ = 	snop  }
0x6: {  	_ = 	snop  }
0x7: {  	_ = 	snop  }
__scs_overlays_trampoline_lowered:
0x8: {  	[smem:$0x3F96] =	sst s0  }
0x9: {  	[smem:$0x3F97] =	sst s1  }
0xa: {  	[smem:$0x3F98] =	sst s2  }
0xb: {  	[smem:$0x3F99] =	sst s3  }
0xc: {  	[smem:$0x3F9A] =	sst s4  }
0xd: {  	[smem:$0x3F9B] =	sst s5  }
0xe: {  	[smem:$0x3F9C] =	sst s6  }
0xf: {  	[smem:$0x3F9D] =	sst s7  }
0x10: {  	[smem:$0x3F9E] =	sst s8  }
0x11: {  	[smem:$0x3F9F] =	sst s9;
	s0 =	simm.s32 @!p0 $0x0  }
0x12: {  	s1 =	sld [smem:$0x3F85];
	s0 =	simm.s32 @p0 $0x1  }
0x13: {  	[smem:$0x3FA0] =	sst s0;
	s0 =	simm.s32 @!p1 $0x0  }
0x14: {  	s2 =	sld [smem:$0x3F84];
	s0 =	simm.s32 @p1 $0x1  }
0x15: {  	[smem:$0x3FA1] =	sst s0;
	s0 =	simm.s32 @!p2 $0x0  }
0x16: {  	s3 =	sld [smem:$0x3FDB];
	s0 =	simm.s32 @p2 $0x1  }
0x17: {  	s4 =	simm.s32 $0x1BF5;
	[smem:$0x3FA3] =	sst s0  }
0x18: {  	s0 =	sld [smem:$0x3F86];
	_ =	swait.ge [sflag:s4], $0x0  }
0x19: {  	s7 =	sld [smem:$0x3F87]  }
0x1a: {  	s8 =	sadd.s32 $0xFFFFE003, lr  }
0x1b: {  	s9 =	sadd.s32 $0xFFFFFEF7, lr;
	s5 =	simm.s32 $0xFFFFFFFF;
	p2 =	slt.u32 s8, $0xFFFFF086  }
0x1c: {  	p1 =	slt.u32 s9, $0xF7A;
	s5 =	simm.s32 @!p2 $0x0  }
0x1d: {  	s5 =	simm.s32 @p1 $0x1;
	p0 =	seq.s32 s7, s2  }
0x1e: {  	s7 =	smul.u32 @!p0 $0xF7A, s2;
	p2 =	seq.s32 @!p0 s5, $0x0  }
0x1f: {  	s9 =	smul.u32 $0xF7A, s1;
	s8 =	simm.s32 @!p0 $0x1BF5;
	p2 =	por !p2, p0  }
0x20: {  	[sflag:s8] =	ssyncset.s32 @!p0 $0xFFFFF086;
	s6 =	sadd.s32 @!p0 s3, s7;
	s7 =	simm.s32 @!p0 $0x108  }
0x21: {  	s3 =	sadd.s32 s3, s9;
	s6 =	sadd.s32 @!p0 $0x88, s6;
	s7 =	simm.s32 @p2 $0x1082  }
0x22: {  	[simem:s7], [sflag:s8] =	dma.local @!p0 [hbm:s6], $0xF7A  }
0x23: {  	s9 =	sor.u32 $0xD0000000, s2;
	s6 =	simm.s32 $0x108;
	_ =	swait.ge @!p0 [sflag:s8], $0x0  }
0x24: {  	s3 =	sadd.s32 $0x88, s3;
	s6 =	simm.s32 @!p1 $0x1082;
	[sflag:s4] =	ssyncset.s32 $0xFFFFF086  }
0x25: {  	[simem:s6], [sflag:s4] =	dma.local [hbm:s3], $0xF7A  }
0x26: {  	[smem:$0x3F87] =	sst s1;
	(tag) =	ssettag s2;
	_ =	strace s9  }
0x27: {  	s1 =	sld [smem:$0x3F97]  }
0x28: {  	s2 =	sld [smem:$0x3F98]  }
0x29: {  	s4 =	sld [smem:$0x3F9A]  }
0x2a: {  	p0 =	seq.s32 s5, $0x0;
	s5 =	sld [smem:$0x3F9B]  }
0x2b: {  	s6 =	sld [smem:$0x3F9C]  }
0x2c: {  	s7 =	sld [smem:$0x3F9D]  }
0x2d: {  	s3 =	simm.s32 $0x108;
	s8 =	sld [smem:$0x3F9E]  }
0x2e: {  	s3 =	simm.s32 @!p0 $0x1082;
	s9 =	sld [smem:$0x3F9F]  }
0x2f: {  	lr =	sadd.s32 s0, s3;
	s0 =	sld [smem:$0x3F96]  }
0x30: {  	s3 =	sld [smem:$0x3F99]  }
0x31: {  	[smem:$0x3FA2] =	sst s10  }
0x32: {  	s10 =	sld [smem:$0x3FA0];
	_ =	sdelay $0x3  }
0x33: {  	p0 =	seq.s32 s10, $0x1;
	s10 =	sld [smem:$0x3FA2];
	_ =	sdelay $0x3  }
0x34: {  	[smem:$0x3FA2] =	sst s10  }
0x35: {  	s10 =	sld [smem:$0x3FA1];
	_ =	sdelay $0x3  }
0x36: {  	p1 =	seq.s32 s10, $0x1;
	s10 =	sld [smem:$0x3FA2];
	_ =	sdelay $0x3  }
0x37: {  	[smem:$0x3FA2] =	sst s10  }
0x38: {  	s10 =	sld [smem:$0x3FA3]  }
0x39: {  	_ = 	snop;
	(pc) =	sbr.ind lr, $3  }
0x3a: {  	_ = 	snop  }
0x3b: {  	_ = 	snop  }
0x3c: {  	p2 =	seq.s32 s10, $0x1;
	s10 =	sld [smem:$0x3FA2]  }
0x3d: {  	_ =	shalt  }
0x3e: {  	_ =	shalt  }
0x3f: {  	_ =	shalt  }
0x40: {  	_ =	shalt  }
0x41: {  	_ =	shalt  }
0x42: {  	_ =	shalt  }
0x43: {  	_ =	shalt  }
0x44: {  	_ =	shalt  }
0x45: {  	_ =	shalt  }
0x46: {  	_ =	shalt  }
0x47: {  	_ =	shalt  }
0x48: {  	_ =	shalt  }
0x49: {  	_ =	shalt  }
0x4a: {  	_ =	shalt  }
0x4b: {  	_ =	shalt  }
0x4c: {  	_ =	shalt  }
0x4d: {  	_ =	shalt  }
0x4e: {  	_ =	shalt  }
0x4f: {  	_ =	shalt  }
0x50: {  	_ =	shalt  }
0x51: {  	_ =	shalt  }
0x52: {  	_ =	shalt  }
0x53: {  	_ =	shalt  }
0x54: {  	_ =	shalt  }
0x55: {  	_ =	shalt  }
0x56: {  	_ =	shalt  }
0x57: {  	_ =	shalt  }
0x58: {  	_ =	shalt  }
0x59: {  	_ =	shalt  }
0x5a: {  	_ =	shalt  }
0x5b: {  	_ =	shalt  }
0x5c: {  	_ =	shalt  }
0x5d: {  	_ =	shalt  }
0x5e: {  	_ =	shalt  }
0x5f: {  	_ =	shalt  }
0x60: {  	_ =	shalt  }
0x61: {  	_ =	shalt  }
0x62: {  	_ =	shalt  }
0x63: {  	_ =	shalt  }
0x64: {  	_ =	shalt  }
0x65: {  	_ =	shalt  }
0x66: {  	_ =	shalt  }
0x67: {  	_ =	shalt  }
0x68: {  	_ =	shalt  }
0x69: {  	_ =	shalt  }
0x6a: {  	_ =	shalt  }
0x6b: {  	_ =	shalt  }
0x6c: {  	_ =	shalt  }
0x6d: {  	_ =	shalt  }
0x6e: {  	_ =	shalt  }
0x6f: {  	_ =	shalt  }
0x70: {  	_ =	shalt  }
0x71: {  	_ =	shalt  }
0x72: {  	_ =	shalt  }
0x73: {  	_ =	shalt  }
0x74: {  	_ =	shalt  }
0x75: {  	_ =	shalt  }
0x76: {  	_ =	shalt  }
0x77: {  	_ =	shalt  }
0x78: {  	_ =	shalt  }
0x79: {  	_ =	shalt  }
0x7a: {  	_ =	shalt  }
0x7b: {  	_ =	shalt  }
0x7c: {  	_ =	shalt  }
0x7d: {  	_ =	shalt  }
0x7e: {  	_ =	shalt  }
0x7f: {  	_ =	shalt  }
0x80: {  	_ =	shalt  }
0x81: {  	_ =	shalt  }
0x82: {  	_ =	shalt  }
0x83: {  	_ =	shalt  }
0x84: {  	_ =	shalt  }
0x85: {  	_ =	shalt  }
0x86: {  	_ =	shalt  }
0x87: {  	_ =	shalt  }
.Lfunc_end0:
.L_simem_size_0:
called_computation.1_lowered:
.L_overlay_start_0:
0x88: {  	s2 =	sld [smem:$0x3FD9]  }
0x89: {  	s3 =	sld [smem:$0x3FFE];
	_ =	sdelay $0x1  }
0x8a: {  	s1 =	srdreg.scid  }
0x8b: {  	s0 =	sand.u32 $0x1, s1  }
0x8c: {  	s14 =	sshll.u32 s0, $0xA;
	s2 =	sadd.s32 s3, s2  }
0x8d: {  	s2 =	sadd.s32 s2, s14  }
0x8e: {  	[smem:$0x3FAE] =	sst s2  }
0x8f: {  	_ = 	snop  }
0x90: {  	s2 =	sld [smem:$0x3FD0];
	_ =	sdelay $0x2  }
0x91: {  	s4 =	simm.s32 $0xA;
	s5 =	simm.s32 $0x10;
	s15 =	sld [smem:$0x3FC6]  }
0x92: {  	[smem:s5], [sflag:s4] =	dma.local [hbm:s2], $0x1  }
0x93: {  	_ =	swait.eq [sflag:s4], $0x1  }
0x94: {  	[sflag:s4] =	ssyncset.done $0x0  }
0x95: {  	s16 =	sld [smem:$0x10];
	[sflag:s4] =	ssyncadd.s32 $0xFFFFFFFF  }
0x96: {  	s17 =	sld [smem:$0x11];
	(tm) =	ssettm $0x1  }
0x97: {  	s18 =	sld [smem:$0x3FFB];
	_ =	sdelay $0x3  }
0x98: {  	_ =	strace s18  }
0x99: {  	s5 =	sld [smem:$0x3FFC];
	_ =	sdelay $0x3  }
0x9a: {  	_ =	strace s5  }
0x9b: {  	s5 =	sld [smem:$0x3FFD];
	_ =	sdelay $0x3  }
0x9c: {  	_ =	strace s5  }
0x9d: {  	_ =	strace $0x8FFFFFFF  }
0x9e: {  	s19 =	sld [smem:$0x3FDB];
	_ =	sdelay $0x1  }
0x9f: {  	s6 =	simm.s32 $_scs_section_size  }
0xa0: {  	s7 =	simm.s32 $_size__tile_overlayer_lowered;
	s8 =	simm.s32 $_tile_overlayer_lowered  }
0xa1: {  	s22 =	simm.s32 $0x1BFF;
	s21 =	sshll.u32 s8, $0x1;
	s5 =	sadd.s32 s6, s19  }
0xa2: {  	s9 =	simm.s32 $0x0;
	s20 =	sshll.u32 s7, $0x1;
	s7 =	sadd.s32 s21, s5  }
0xa3: {  	[timem:s9], [sflag:s22] =	dma.local [hbm:s7], s20  }
0xa4: {  	_ =	swait.ge [sflag:s22], s20  }
0xa5: {  	s6 =	ssub.s32 $0x0, s20;
	[sflag:s22] =	ssyncset.done $0x0  }
0xa6: {  	[sflag:s22] =	ssyncadd.s32 s6;
	_ =	sdelay $0x1  }
0xa7: {  	s23 =	simm.s32 $0x1B8B  }
0xa8: {  	_ =	swait.ge [sflag:s23], $0x1  }
0xa9: {  	[sflag:s23] =	ssyncset.done $0x0  }
0xaa: {  	s25 =	simm.s32 $0x1B8E;
	s24 =	sld [smem:$0x3FFE];
	[sflag:s23] =	ssyncadd.s32 $0xFFFFFFFF  }
0xab: {  	s26 =	simm.s32 $execute0_lowered;
	[smem:$0x3FD2] =	sst s25  }
0xac: {  	s7 =	sshll.u32 s26, $0x1;
	_ =	strace $0x80000049;
	[dreg:$0x1] =	wrdreg $0xFFFFFFFF  }
0xad: {  	s28 =	simm.s32 $_size_execute0_lowered;
	s5 =	sadd.s32 s5, s7;
	[dreg:$0x0] =	wrdreg $0x0  }
0xae: {  	s7 =	sshll.u32 s28, $0x1;
	[dreg:$0x2] =	wrdreg s5  }
0xaf: {  	[dreg:$0x3] =	wrdreg s7  }
0xb0: {  	[dreg:$0x4] =	wrdreg $0xC0  }
0xb1: {  	_ =	task [dreg:s9], $0x5FFFF  }
0xb2: {  	[dreg:$0x1] =	wrdreg $0xFFFFFFFF  }
0xb3: {  	[dreg:$0x0] =	wrdreg $0x60  }
0xb4: {  	[dreg:$0x2] =	wrdreg s24  }
0xb5: {  	[dreg:$0x3] =	wrdreg s17  }
0xb6: {  	[dreg:$0x4] =	wrdreg s15  }
0xb7: {  	[dreg:$0x5] =	wrdreg s16  }
0xb8: {  	[dreg:$0x6] =	wrdreg $0x2D500  }
0xb9: {  	[dreg:$0x7] =	wrdreg $0x165D00  }
0xba: {  	[dreg:$0x8] =	wrdreg $0x9  }
0xbb: {  	_ =	task.clear_ibuf [dreg:s9], $0x9FFFF;
	_ =	strace $0x90000049  }
0xbc: {  	s29 =	simm.s32 $0x9;
	_ =	strace $0x8000004B  }
0xbd: {  	_ =	swait.ge [sflag:s29], $0x1  }
0xbe: {  	[sflag:s29] =	ssyncadd.s32 $0xFFFFFFFF  }
0xbf: {  	_ =	strace $0x9000004B  }
0xc0: {  	_ =	sfence  }
0xc1: {  	s30 =	sld [smem:$0x0];
	_ =	sdelay $0x2  }
0xc2: {  	s31 =	sshll.u32 s1, $0xD;
	s1 =	sshrl.u32 s1, $0x2  }
0xc3: {  	s3 =	sand.u32 $0x4000, s31;
	s1 =	sadd.s32 s1, s30  }
0xc4: {  	s0 =	sor.u32 s3, s0;
	s1 =	sshll.u32 s1, $0x11  }
0xc5: {  	s0 =	sor.u32 s1, s0  }
0xc6: {  	s0 =	sadd.s32 $0x8F2B, s0  }
0xc7: {  	[sflag:s0] =	ssyncadd.remote.s32 $0x1  }
0xc8: {  	_ =	sfence.sel $0xFFFF  }
0xc9: {  	[dreg:$0x0] =	wrdreg $0xFFFFFFFF;
	(pc) =	sbr.abs _section_cstart, $3  }
0xca: {  	[dreg:$0x1] =	wrdreg $0xFFFFFFFF  }
0xcb: {  	_ =	task.clear_ibuf [dreg:s9], $0x2FFFF;
	_ =	strace $0x9FFFFFFF  }
0xcc: {  	(tm) =	ssettm $0x7FFFFFFF  }
0xcd: {  	_ =	shalt  }
tec
execute0_lowered:
.L_overlay_start_1:
0x0: {  	(tag) =	ssettag $0x1  }
0x1: {  	s0 =	stileid.u32  }
0x2: {  	s7 =	smul.u32 $0x4E200, s0  }
0x3: {  	s11 =	smul.u32 $0x2800, s0  }
0x4: {  	s13 =	smul.u32 $0xA0, s0  }
0x5: {  	s5 =	rddreg [dreg:$0x0];
	s30 =	smul.u32 $0x500, s0  }
0x6: {  	s10 =	rddreg [dreg:$0x1];
	s17 =	smul.u32 $0xA000, s0  }
0x7: {  	s12 =	rddreg [dreg:$0x2];
	s19 =	smul.u32 $0x1400, s0  }
0x8: {  	s1 =	srdreg.scid;
	s21 =	smul.u32 $0x9C40, s0  }
0x9: {  	s6 =	rddreg [dreg:$0x3];
	s9 =	sand.u32 $0x1, s1;
	s24 =	smul.u32 $0x4E20, s0  }
0xa: {  	s2 =	rddreg [dreg:$0x4];
	s8 =	smul.u32 $0x138800, s9  }
0xb: {  	s3 =	rddreg [dreg:$0x5];
	s4 =	simm.s32 $0x0;
	s14 =	smul.u32 $0x27100, s9  }
0xc: {  	[smem:$0x7FF] =	sst s4;
	s26 =	smul.u32 $0x2710, s9  }
0xd: {  	_ =	strace $0x8000004A;
	s1 =	ssub.s32 $0x2, s9;
	s29 =	smul.u32 $0x4E20, s9  }
0xe: {  	s15 =	sadd.s32 s7, s5;
	s13 =	sadd.s32 s13, s5;
	s18 =	sshrl.u32 s1, $0x1  }
0xf: {  	s23 =	sshrl.u32 s17, $0x2;
	s25 =	sadd.s32 s30, s6;
	s28 =	sshrl.u32 s19, $0x2  }
0x10: {  	s10 =	sadd.s32 s21, s10;
	s17 =	simm.s32 $0x1;
	s19 =	simm.s32 $0x3  }
0x11: {  	s21 =	simm.s32 $0x5;
	s8 =	sadd.s32 s11, s8;
	s31 =	sadd.s32 s30, s14  }
0x12: {  	s18 =	ssub.s32 s1, s18;
	[dreg:$0x8] =	wrdreg s25;
	s9 =	sadd.s32 s28, s3  }
0x13: {  	s11 =	sadd.s32 s26, s24;
	s10 =	sadd.s32 s29, s10;
	s30 =	sadd.s32 s14, s15  }
0x14: {  	s15 =	simm.s32 $0x50;
	s8 =	sshrl.u32 s8, $0x3;
	s7 =	sshrl.u32 s31, $0x3  }
0x15: {  	s22 =	smax.u32 s18, $0x1;
	s31 =	sshrl.u32 s11, $0x3;
	s11 =	sadd.s32 $0x138E800, s30  }
0x16: {  	s18 =	simm.s32 $0x2;
	s16 =	sadd.s32 s8, s5;
	s20 =	sadd.s32 s7, s5  }
0x17: {  	[dreg:$0x7] =	wrdreg s22;
	s7 =	sadd.s32 s23, s2;
	s8 =	sadd.s32 $0xEAC800, s13  }
0x18: {  	s12 =	sadd.s32 s31, s12;
	s22 =	simm.s32 $0x0;
	s13 =	sadd.s32 $0xEBB600, s16  }
0x19: {  	s14 =	sadd.s32 $0xEB1800, s20;
	s16 =	simm.s32 $0x2850;
	s20 =	simm.s32 $0x4  }
.LBB2_1:
0x1a: {  	s23 =	sadd.s32 $0x0, s0  }
0x1b: {  	p0 =	sgt.u32 s23, $0x7C  }
0x1c: {  	s1 =	rddreg [dreg:$0x8];
	s23 =	sshll.u32 @!p0 s0, $0x6  }
0x1d: {  	s25 =	sshrl.u32 @!p0 s7, $0x3;
	s26 =	simm.s32 @!p0 $0x7;
	s24 =	sor.u32 @!p0 $0x1C07, s23  }
0x1e: {  	[spmem:s25], [sflag:s24] =	dma.local @!p0 [hbm:s1], $0x500  }
0x1f: {  	s30 =	sadd.s32 $0x10, s0;
	_ =	swait.ge @!p0 [sflag:s26], $0x500  }
0x20: {  	s28 =	sadd.s32 $0x5000, s1;
	s29 =	simm.s32 @!p0 $0x6;
	[sflag:s26] =	ssyncset.done @!p0 $0x0  }
0x21: {  	s24 =	sor.u32 @!p0 $0x1C06, s23;
	[sflag:s26] =	ssyncadd.s32 @!p0 $0xFFFFFB00;
	s26 =	sshrl.u32 @!p0 s9, $0x3  }
0x22: {  	[spmem:s26], [sflag:s24] =	dma.local @!p0 [hbm:s8], $0xA0  }
0x23: {  	s25 =	simm.s32 $0x20;
	s23 =	sadd.s32 $0x5000, s9;
	_ =	swait.ge @!p0 [sflag:s29], $0xA0  }
0x24: {  	s26 =	sadd.s32 $0x28000, s7;
	s24 =	sadd.s32 $0xA00, s8;
	[sflag:s29] =	ssyncset.done @!p0 $0x0  }
.LBB2_2:
0x25: {  	[sflag:s29] =	ssyncadd.s32 @!p0 $0xFFFFFF60;
	p0 =	sgt.u32 s30, $0x7C  }
0x26: {  	s30 =	smov.u32 s25;
	s25 =	sadd.s32 $0x10, s25;
	s29 =	smov.u32 s23  }
0x27: {  	p1 =	sne.s32 s25, $0x80;
	s31 =	sshll.u32 @!p0 s0, $0x6  }
0x28: {  	s5 =	sshrl.u32 @!p0 s26, $0x3;
	s6 =	simm.s32 @!p0 $0x7;
	s1 =	sor.u32 @!p0 $0x1C07, s31  }
0x29: {  	[spmem:s5], [sflag:s1] =	dma.local @!p0 [hbm:s28], $0x500  }
0x2a: {  	s1 =	sor.u32 @!p0 $0x1C06, s31;
	_ =	swait.ge @!p0 [sflag:s6], $0x500  }
.Ltmp0:
0x2b: {  	s23 =	sadd.s32 $0x5000, s23;
	[sflag:s6] =	ssyncset.done @!p0 $0x0;
	(pc) =	sbr.rel @p1 .LBB2_2-.Ltmp0, $4  }
0x2c: {  	s5 =	sshrl.u32 @!p0 s29, $0x3;
	s29 =	simm.s32 @!p0 $0x6;
	[sflag:s6] =	ssyncadd.s32 @!p0 $0xFFFFFB00  }
0x2d: {  	[spmem:s5], [sflag:s1] =	dma.local @!p0 [hbm:s24], $0xA0  }
0x2e: {  	s26 =	sadd.s32 $0x28000, s26;
	s24 =	sadd.s32 $0xA00, s24;
	_ =	swait.ge @!p0 [sflag:s29], $0xA0  }
0x2f: {  	s30 =	sadd.s32 s30, s0;
	s28 =	sadd.s32 $0x5000, s28;
	[sflag:s29] =	ssyncset.done @!p0 $0x0  }
0x30: {  	p1 =	sgt.u32 s30, $0x7C  }
0x31: {  	[sflag:s29] =	ssyncadd.s32 @!p0 $0xFFFFFF60;
	s1 =	sshll.u32 @!p1 s0, $0x6  }
0x32: {  	s6 =	sshrl.u32 @!p1 s26, $0x3;
	s25 =	simm.s32 @!p1 $0x7;
	s5 =	sor.u32 @!p1 $0x1C07, s1  }
0x33: {  	[spmem:s6], [sflag:s5] =	dma.local @!p1 [hbm:s28], $0x500  }
0x34: {  	_ =	swait.ge @!p1 [sflag:s25], $0x500  }
0x35: {  	s1 =	sor.u32 @!p1 $0x1C06, s1;
	[sflag:s25] =	ssyncset.done @!p1 $0x0  }
0x36: {  	s5 =	sshrl.u32 @!p1 s23, $0x3;
	s6 =	simm.s32 @!p1 $0x6;
	[sflag:s25] =	ssyncadd.s32 @!p1 $0xFFFFFB00  }
0x37: {  	[spmem:s5], [sflag:s1] =	dma.local @!p1 [hbm:s24], $0xA0  }
0x38: {  	_ =	swait.ge @!p1 [sflag:s6], $0xA0  }
0x39: {  	[sflag:s6] =	ssyncset.done @!p1 $0x0  }
0x3a: {  	[sflag:s6] =	ssyncadd.s32 @!p1 $0xFFFFFF60  }
0x3b: {  	s31 =	sadd.s32 $0x0, s12;
	[bflag:$0x0] =	sbarrier.arrive $0xFFFF  }
0x3c: {  	[tilespmem:s4], [sflag:$0x1] =	stream.linear.gather [hbm4b:s31+s4], $0x50, $0x38;
	[tilespmem:$0x18CE0] =	vst v63  }
0x3d: {  	_ = 	snop  }
0x3e: {  	[tilespmem:s15], [sflag:$0x2] =	stream.linear.gather [hbm4b:s11+s4], $0x2800, $0x38;
	[tilespmem:$0x18CE0] =	vst v63  }
0x3f: {  	_ = 	snop  }
0x40: {  	[tilespmem:s16], [sflag:$0x3] =	stream.linear.gather [hbm4b:s10+s4], $0x500, $0x38;
	[tilespmem:$0x18CE0] =	vst v63  }
0x41: {  	_ =	swait.ge [sflag:s17], $0x50  }
0x42: {  	[sflag:s17] =	ssyncset.done $0x0  }
0x43: {  	[sflag:s17] =	ssyncadd.s32 $0xFFFFFFB0  }
0x44: {  	_ =	swait.ge [sflag:s18], $0x2800  }
0x45: {  	[sflag:s18] =	ssyncset.done $0x0  }
0x46: {  	[sflag:s18] =	ssyncadd.s32 $0xFFFFD800  }
0x47: {  	[spmem:s2] =	stream.indirect.scatter.add.f32 [tilespmem:s15], [sflag:$0x4], $0x80, s4, s15, $0xb8;
	[tilespmem:$0x18CE0] =	vst v63  }
0x48: {  	_ =	swait.ge [sflag:s19], $0x500  }
0x49: {  	[sflag:s19] =	ssyncset.done $0x0  }
0x4a: {  	[sflag:s19] =	ssyncadd.s32 $0xFFFFFB00  }
0x4b: {  	[spmem:s3] =	stream.indirect.scatter.add.f32 [tilespmem:s16], [sflag:$0x5], $0x10, s4, s15, $0xb8;
	[tilespmem:$0x18CE0] =	vst v63  }
0x4c: {  	_ =	swait.ge [sflag:s20], $0x2800  }
0x4d: {  	[sflag:s20] =	ssyncset.done $0x0  }
0x4e: {  	[sflag:s20] =	ssyncadd.s32 $0xFFFFD800  }
0x4f: {  	s26 =	simm.s32 $0x14;
	s23 =	sadd.s32 $0xA0, s10;
	_ =	swait.ge [sflag:s21], $0x500  }
0x50: {  	s25 =	sadd.s32 $0x500, s11;
	s24 =	simm.s32 $0xA;
	[sflag:s21] =	ssyncset.done $0x0  }
.LBB2_4:
0x51: {  	s1 =	sadd.s32 s24, s12  }
0x52: {  	[sflag:s21] =	ssyncadd.s32 $0xFFFFFB00;
	s24 =	smov.u32 s26;
	s5 =	sadd.s32 $0xA, s26  }
0x53: {  	[tilespmem:s4], [sflag:$0x1] =	stream.linear.gather [hbm4b:s1+s4], $0x50, $0x38;
	[tilespmem:$0x18CE0] =	vst v63  }
0x54: {  	p0 =	sne.s32 s26, $0x4D8  }
0x55: {  	[tilespmem:s15], [sflag:$0x2] =	stream.linear.gather [hbm4b:s25+s4], $0x2800, $0x38;
	[tilespmem:$0x18CE0] =	vst v63  }
0x56: {  	_ = 	snop  }
0x57: {  	[tilespmem:s16], [sflag:$0x3] =	stream.linear.gather [hbm4b:s23+s4], $0x500, $0x38;
	[tilespmem:$0x18CE0] =	vst v63  }
0x58: {  	_ =	swait.ge [sflag:s17], $0x50  }
0x59: {  	[sflag:s17] =	ssyncset.done $0x0  }
0x5a: {  	[sflag:s17] =	ssyncadd.s32 $0xFFFFFFB0  }
0x5b: {  	_ =	swait.ge [sflag:s18], $0x2800  }
0x5c: {  	[sflag:s18] =	ssyncset.done $0x0  }
0x5d: {  	[sflag:s18] =	ssyncadd.s32 $0xFFFFD800  }
0x5e: {  	[spmem:s2] =	stream.indirect.scatter.add.f32 [tilespmem:s15], [sflag:$0x4], $0x80, s4, s15, $0xb8;
	[tilespmem:$0x18CE0] =	vst v63  }
0x5f: {  	_ =	swait.ge [sflag:s19], $0x500  }
0x60: {  	[sflag:s19] =	ssyncset.done $0x0  }
0x61: {  	[sflag:s19] =	ssyncadd.s32 $0xFFFFFB00  }
0x62: {  	[spmem:s3] =	stream.indirect.scatter.add.f32 [tilespmem:s16], [sflag:$0x5], $0x10, s4, s15, $0xb8;
	[tilespmem:$0x18CE0] =	vst v63  }
.Ltmp1:
0x63: {  	_ =	swait.ge [sflag:s20], $0x2800;
	(pc) =	sbr.rel @p0 .LBB2_4-.Ltmp1, $4  }
0x64: {  	[sflag:s20] =	ssyncset.done $0x0  }
0x65: {  	[sflag:s20] =	ssyncadd.s32 $0xFFFFD800  }
0x66: {  	s26 =	smov.u32 s5;
	_ =	swait.ge [sflag:s21], $0x500  }
0x67: {  	s25 =	sadd.s32 $0x500, s25;
	s23 =	sadd.s32 $0xA0, s23;
	[sflag:s21] =	ssyncset.done $0x0  }
0x68: {  	s1 =	sadd.s32 s24, s12;
	[sflag:s21] =	ssyncadd.s32 $0xFFFFFB00  }
0x69: {  	[tilespmem:s4], [sflag:$0x1] =	stream.linear.gather [hbm4b:s1+s4], $0x50, $0x38;
	[tilespmem:$0x18CE0] =	vst v63  }
0x6a: {  	_ = 	snop  }
0x6b: {  	[tilespmem:s15], [sflag:$0x2] =	stream.linear.gather [hbm4b:s25+s4], $0x2800, $0x38;
	[tilespmem:$0x18CE0] =	vst v63  }
0x6c: {  	_ = 	snop  }
0x6d: {  	[tilespmem:s16], [sflag:$0x3] =	stream.linear.gather [hbm4b:s23+s4], $0x500, $0x38;
	[tilespmem:$0x18CE0] =	vst v63  }
0x6e: {  	_ =	swait.ge [sflag:s17], $0x50  }
0x6f: {  	[sflag:s17] =	ssyncset.done $0x0  }
0x70: {  	[sflag:s17] =	ssyncadd.s32 $0xFFFFFFB0  }
0x71: {  	_ =	swait.ge [sflag:s18], $0x2800  }
0x72: {  	[sflag:s18] =	ssyncset.done $0x0  }
0x73: {  	[sflag:s18] =	ssyncadd.s32 $0xFFFFD800  }
0x74: {  	[spmem:s2] =	stream.indirect.scatter.add.f32 [tilespmem:s15], [sflag:$0x4], $0x80, s4, s15, $0xb8;
	[tilespmem:$0x18CE0] =	vst v63  }
0x75: {  	_ =	swait.ge [sflag:s19], $0x500  }
0x76: {  	[sflag:s19] =	ssyncset.done $0x0  }
0x77: {  	[sflag:s19] =	ssyncadd.s32 $0xFFFFFB00  }
0x78: {  	[spmem:s3] =	stream.indirect.scatter.add.f32 [tilespmem:s16], [sflag:$0x5], $0x10, s4, s15, $0xb8;
	[tilespmem:$0x18CE0] =	vst v63  }
0x79: {  	_ =	swait.ge [sflag:s20], $0x2800  }
0x7a: {  	[sflag:s20] =	ssyncset.done $0x0  }
0x7b: {  	[sflag:s20] =	ssyncadd.s32 $0xFFFFD800  }
0x7c: {  	s31 =	sadd.s32 $0x0, s0;
	_ =	swait.ge [sflag:s21], $0x500  }
0x7d: {  	p0 =	sgt.u32 s31, $0x7C;
	[sflag:s21] =	ssyncset.done $0x0  }
0x7e: {  	s1 =	sshll.u32 @!p0 s0, $0x6;
	s6 =	sshrl.u32 @!p0 s7, $0x3;
	[sflag:s21] =	ssyncadd.s32 $0xFFFFFB00  }
0x7f: {  	s24 =	simm.s32 @!p0 $0x7;
	s5 =	sor.u32 @!p0 $0x1C07, s1;
	[bflag:$0x0] =	sbarrier.arrive $0xFFFF  }
0x80: {  	[hbm:s13], [sflag:s5] =	dma.local @!p0 [spmem:s6], $0x500  }
0x81: {  	s26 =	sadd.s32 $0x5000, s13;
	_ =	swait.ge @!p0 [sflag:s24], $0x500  }
0x82: {  	s30 =	sadd.s32 $0x10, s0;
	s29 =	simm.s32 @!p0 $0x6;
	[sflag:s24] =	ssyncset.done @!p0 $0x0  }
0x83: {  	s1 =	sor.u32 @!p0 $0x1C06, s1;
	s5 =	sshrl.u32 @!p0 s9, $0x3;
	[sflag:s24] =	ssyncadd.s32 @!p0 $0xFFFFFB00  }
0x84: {  	[hbm:s14], [sflag:s1] =	dma.local @!p0 [spmem:s5], $0xA0  }
0x85: {  	s28 =	sadd.s32 $0x28000, s7;
	s25 =	simm.s32 $0x20;
	_ =	swait.ge @!p0 [sflag:s29], $0xA0  }
0x86: {  	s23 =	sadd.s32 $0xA00, s14;
	s24 =	sadd.s32 $0x5000, s9;
	[sflag:s29] =	ssyncset.done @!p0 $0x0  }
.LBB2_6:
0x87: {  	[sflag:s29] =	ssyncadd.s32 @!p0 $0xFFFFFF60;
	p0 =	sgt.u32 s30, $0x7C  }
0x88: {  	s1 =	smov.u32 s25;
	s25 =	sadd.s32 $0x10, s25;
	s5 =	smov.u32 s23  }
0x89: {  	p1 =	sne.s32 s25, $0x80;
	s6 =	sshll.u32 @!p0 s0, $0x6  }
0x8a: {  	s30 =	sshrl.u32 @!p0 s28, $0x3;
	s31 =	simm.s32 @!p0 $0x7;
	s29 =	sor.u32 @!p0 $0x1C07, s6  }
0x8b: {  	[hbm:s26], [sflag:s29] =	dma.local @!p0 [spmem:s30], $0x500  }
0x8c: {  	s6 =	sor.u32 @!p0 $0x1C06, s6;
	_ =	swait.ge @!p0 [sflag:s31], $0x500  }
.Ltmp2:
0x8d: {  	s23 =	sadd.s32 $0xA00, s23;
	[sflag:s31] =	ssyncset.done @!p0 $0x0;
	(pc) =	sbr.rel @p1 .LBB2_6-.Ltmp2, $4  }
0x8e: {  	s30 =	sshrl.u32 @!p0 s24, $0x3;
	s29 =	simm.s32 @!p0 $0x6;
	[sflag:s31] =	ssyncadd.s32 @!p0 $0xFFFFFB00  }
0x8f: {  	[hbm:s5], [sflag:s6] =	dma.local @!p0 [spmem:s30], $0xA0  }
0x90: {  	s26 =	sadd.s32 $0x5000, s26;
	s24 =	sadd.s32 $0x5000, s24;
	_ =	swait.ge @!p0 [sflag:s29], $0xA0  }
0x91: {  	s28 =	sadd.s32 $0x28000, s28;
	s30 =	sadd.s32 s1, s0;
	[sflag:s29] =	ssyncset.done @!p0 $0x0  }
0x92: {  	p1 =	sgt.u32 s30, $0x7C  }
0x93: {  	[sflag:s29] =	ssyncadd.s32 @!p0 $0xFFFFFF60;
	s1 =	sshll.u32 @!p1 s0, $0x6  }
0x94: {  	s6 =	sshrl.u32 @!p1 s28, $0x3;
	s25 =	simm.s32 @!p1 $0x7;
	s5 =	sor.u32 @!p1 $0x1C07, s1  }
0x95: {  	[hbm:s26], [sflag:s5] =	dma.local @!p1 [spmem:s6], $0x500  }
0x96: {  	_ =	swait.ge @!p1 [sflag:s25], $0x500  }
0x97: {  	s1 =	sor.u32 @!p1 $0x1C06, s1;
	[sflag:s25] =	ssyncset.done @!p1 $0x0  }
0x98: {  	s5 =	sshrl.u32 @!p1 s24, $0x3;
	s6 =	simm.s32 @!p1 $0x6;
	[sflag:s25] =	ssyncadd.s32 @!p1 $0xFFFFFB00  }
0x99: {  	[hbm:s23], [sflag:s1] =	dma.local @!p1 [spmem:s5], $0xA0  }
0x9a: {  	_ =	swait.ge @!p1 [sflag:s6], $0xA0  }
0x9b: {  	s22 =	sadd.s32 $0x1, s22;
	s31 =	rddreg [dreg:$0x7]  }
0x9c: {  	p0 =	sne.s32 s22, s31  }
.Ltmp3:
0x9d: {  	_ = 	snop;
	(pc) =	sbr.rel @p0 .LBB2_1-.Ltmp3, $3  }
0x9e: {  	_ =	sdelay $0x1  }
0x9f: {  	[sflag:s6] =	ssyncset.done @!p1 $0x0  }
0xa0: {  	[sflag:s6] =	ssyncadd.s32 @!p1 $0xFFFFFF60  }
0xa1: {  	_ =	sfence.sel $0x180000  }
0xa2: {  	[bflag:$0x0] =	sbarrier.arrive $0xFFFF  }
0xa3: {  	_ =	strace $0x9000004A  }
0xa4: {  	[bflag:$0x2] =	sbarrier.arrive $0xFFFF  }
0xa5: {  	p0 =	sne.s32 s0, $0x0;
	s0 =	rddreg [dreg:$0x6]  }
0xa6: {  	s0 =	sadd.s32 @!p0 $0x100000, s0  }
0xa7: {  	[sflag:s0] =	ssyncadd.tile.s32 @!p0 $0x1;
	_ =	shalt  }
.Lfunc_end2:
_tile_overlayer_lowered:
.L_overlay_start_2:
0xa8: {  	(tag) =	ssettag $0x2  }
0xa9: {  	s0 =	rddreg [dreg:$0x0];
	s2 =	stileid.u32  }
0xaa: {  	s1 =	rddreg [dreg:$0x1];
	p0 =	sne.s32 s2, $0x0  }
0xab: {  	s3 =	rddreg [dreg:$0x2];
	[bflag:$0x3] =	sbarrier.arrive $0xFFFF;
	s2 =	simm.s32 @!p0 $0x1C06  }
0xac: {  	[timem:s3], [sflag:s2] =	dma.local @!p0 [hbm:s0], s1  }
0xad: {  	s0 =	simm.s32 @!p0 $0x6  }
0xae: {  	_ =	swait.ge @!p0 [sflag:s0], s1  }
0xaf: {  	s1 =	ssub.s32 @!p0 $0x0, s1;
	[sflag:s0] =	ssyncset.done @!p0 $0x0  }
0xb0: {  	[sflag:s0] =	ssyncadd.s32 @!p0 s1  }
0xb1: {  	[bflag:$0x3] =	sbarrier.arrive $0xFFFF  }
0xb2: {  	_ =	shalt  }

// kernel: kernel.14.cloned.1.call-start
scs
__scs_entry_jumppad:
0x0: {  	(pc) =	sbr.rel $0x88, $3  }
0x1: {  	(tag) =	ssettag $0x0;
	lr =	simm.s32 $0x1  }
0x2: {  	[smem:$0x3F87] =	sst lr;
	_ =	strace $0xD0000000  }
0x3: {  	_ = 	snop  }
0x4: {  	_ = 	snop  }
0x5: {  	_ = 	snop  }
0x6: {  	_ = 	snop  }
0x7: {  	_ = 	snop  }
__scs_overlays_trampoline_lowered:
0x8: {  	[smem:$0x3F96] =	sst s0  }
0x9: {  	[smem:$0x3F97] =	sst s1  }
0xa: {  	[smem:$0x3F98] =	sst s2  }
0xb: {  	[smem:$0x3F99] =	sst s3  }
0xc: {  	[smem:$0x3F9A] =	sst s4  }
0xd: {  	[smem:$0x3F9B] =	sst s5  }
0xe: {  	[smem:$0x3F9C] =	sst s6  }
0xf: {  	[smem:$0x3F9D] =	sst s7  }
0x10: {  	[smem:$0x3F9E] =	sst s8  }
0x11: {  	[smem:$0x3F9F] =	sst s9;
	s0 =	simm.s32 @!p0 $0x0  }
0x12: {  	s1 =	sld [smem:$0x3F85];
	s0 =	simm.s32 @p0 $0x1  }
0x13: {  	[smem:$0x3FA0] =	sst s0;
	s0 =	simm.s32 @!p1 $0x0  }
0x14: {  	s2 =	sld [smem:$0x3F84];
	s0 =	simm.s32 @p1 $0x1  }
0x15: {  	[smem:$0x3FA1] =	sst s0;
	s0 =	simm.s32 @!p2 $0x0  }
0x16: {  	s3 =	sld [smem:$0x3FDB];
	s0 =	simm.s32 @p2 $0x1  }
0x17: {  	s4 =	simm.s32 $0x1BF5;
	[smem:$0x3FA3] =	sst s0  }
0x18: {  	s0 =	sld [smem:$0x3F86];
	_ =	swait.ge [sflag:s4], $0x0  }
0x19: {  	s7 =	sld [smem:$0x3F87]  }
0x1a: {  	s8 =	sadd.s32 $0xFFFFE003, lr  }
0x1b: {  	s9 =	sadd.s32 $0xFFFFFEF7, lr;
	s5 =	simm.s32 $0xFFFFFFFF;
	p2 =	slt.u32 s8, $0xFFFFF086  }
0x1c: {  	p1 =	slt.u32 s9, $0xF7A;
	s5 =	simm.s32 @!p2 $0x0  }
0x1d: {  	s5 =	simm.s32 @p1 $0x1;
	p0 =	seq.s32 s7, s2  }
0x1e: {  	s7 =	smul.u32 @!p0 $0xF7A, s2;
	p2 =	seq.s32 @!p0 s5, $0x0  }
0x1f: {  	s9 =	smul.u32 $0xF7A, s1;
	s8 =	simm.s32 @!p0 $0x1BF5;
	p2 =	por !p2, p0  }
0x20: {  	[sflag:s8] =	ssyncset.s32 @!p0 $0xFFFFF086;
	s6 =	sadd.s32 @!p0 s3, s7;
	s7 =	simm.s32 @!p0 $0x108  }
0x21: {  	s3 =	sadd.s32 s3, s9;
	s6 =	sadd.s32 @!p0 $0x88, s6;
	s7 =	simm.s32 @p2 $0x1082  }
0x22: {  	[simem:s7], [sflag:s8] =	dma.local @!p0 [hbm:s6], $0xF7A  }
0x23: {  	s9 =	sor.u32 $0xD0000000, s2;
	s6 =	simm.s32 $0x108;
	_ =	swait.ge @!p0 [sflag:s8], $0x0  }
0x24: {  	s3 =	sadd.s32 $0x88, s3;
	s6 =	simm.s32 @!p1 $0x1082;
	[sflag:s4] =	ssyncset.s32 $0xFFFFF086  }
0x25: {  	[simem:s6], [sflag:s4] =	dma.local [hbm:s3], $0xF7A  }
0x26: {  	[smem:$0x3F87] =	sst s1;
	(tag) =	ssettag s2;
	_ =	strace s9  }
0x27: {  	s1 =	sld [smem:$0x3F97]  }
0x28: {  	s2 =	sld [smem:$0x3F98]  }
0x29: {  	s4 =	sld [smem:$0x3F9A]  }
0x2a: {  	p0 =	seq.s32 s5, $0x0;
	s5 =	sld [smem:$0x3F9B]  }
0x2b: {  	s6 =	sld [smem:$0x3F9C]  }
0x2c: {  	s7 =	sld [smem:$0x3F9D]  }
0x2d: {  	s3 =	simm.s32 $0x108;
	s8 =	sld [smem:$0x3F9E]  }
0x2e: {  	s3 =	simm.s32 @!p0 $0x1082;
	s9 =	sld [smem:$0x3F9F]  }
0x2f: {  	lr =	sadd.s32 s0, s3;
	s0 =	sld [smem:$0x3F96]  }
0x30: {  	s3 =	sld [smem:$0x3F99]  }
0x31: {  	[smem:$0x3FA2] =	sst s10  }
0x32: {  	s10 =	sld [smem:$0x3FA0];
	_ =	sdelay $0x3  }
0x33: {  	p0 =	seq.s32 s10, $0x1;
	s10 =	sld [smem:$0x3FA2];
	_ =	sdelay $0x3  }
0x34: {  	[smem:$0x3FA2] =	sst s10  }
0x35: {  	s10 =	sld [smem:$0x3FA1];
	_ =	sdelay $0x3  }
0x36: {  	p1 =	seq.s32 s10, $0x1;
	s10 =	sld [smem:$0x3FA2];
	_ =	sdelay $0x3  }
0x37: {  	[smem:$0x3FA2] =	sst s10  }
0x38: {  	s10 =	sld [smem:$0x3FA3]  }
0x39: {  	_ = 	snop;
	(pc) =	sbr.ind lr, $3  }
0x3a: {  	_ = 	snop  }
0x3b: {  	_ = 	snop  }
0x3c: {  	p2 =	seq.s32 s10, $0x1;
	s10 =	sld [smem:$0x3FA2]  }
0x3d: {  	_ =	shalt  }
0x3e: {  	_ =	shalt  }
0x3f: {  	_ =	shalt  }
0x40: {  	_ =	shalt  }
0x41: {  	_ =	shalt  }
0x42: {  	_ =	shalt  }
0x43: {  	_ =	shalt  }
0x44: {  	_ =	shalt  }
0x45: {  	_ =	shalt  }
0x46: {  	_ =	shalt  }
0x47: {  	_ =	shalt  }
0x48: {  	_ =	shalt  }
0x49: {  	_ =	shalt  }
0x4a: {  	_ =	shalt  }
0x4b: {  	_ =	shalt  }
0x4c: {  	_ =	shalt  }
0x4d: {  	_ =	shalt  }
0x4e: {  	_ =	shalt  }
0x4f: {  	_ =	shalt  }
0x50: {  	_ =	shalt  }
0x51: {  	_ =	shalt  }
0x52: {  	_ =	shalt  }
0x53: {  	_ =	shalt  }
0x54: {  	_ =	shalt  }
0x55: {  	_ =	shalt  }
0x56: {  	_ =	shalt  }
0x57: {  	_ =	shalt  }
0x58: {  	_ =	shalt  }
0x59: {  	_ =	shalt  }
0x5a: {  	_ =	shalt  }
0x5b: {  	_ =	shalt  }
0x5c: {  	_ =	shalt  }
0x5d: {  	_ =	shalt  }
0x5e: {  	_ =	shalt  }
0x5f: {  	_ =	shalt  }
0x60: {  	_ =	shalt  }
0x61: {  	_ =	shalt  }
0x62: {  	_ =	shalt  }
0x63: {  	_ =	shalt  }
0x64: {  	_ =	shalt  }
0x65: {  	_ =	shalt  }
0x66: {  	_ =	shalt  }
0x67: {  	_ =	shalt  }
0x68: {  	_ =	shalt  }
0x69: {  	_ =	shalt  }
0x6a: {  	_ =	shalt  }
0x6b: {  	_ =	shalt  }
0x6c: {  	_ =	shalt  }
0x6d: {  	_ =	shalt  }
0x6e: {  	_ =	shalt  }
0x6f: {  	_ =	shalt  }
0x70: {  	_ =	shalt  }
0x71: {  	_ =	shalt  }
0x72: {  	_ =	shalt  }
0x73: {  	_ =	shalt  }
0x74: {  	_ =	shalt  }
0x75: {  	_ =	shalt  }
0x76: {  	_ =	shalt  }
0x77: {  	_ =	shalt  }
0x78: {  	_ =	shalt  }
0x79: {  	_ =	shalt  }
0x7a: {  	_ =	shalt  }
0x7b: {  	_ =	shalt  }
0x7c: {  	_ =	shalt  }
0x7d: {  	_ =	shalt  }
0x7e: {  	_ =	shalt  }
0x7f: {  	_ =	shalt  }
0x80: {  	_ =	shalt  }
0x81: {  	_ =	shalt  }
0x82: {  	_ =	shalt  }
0x83: {  	_ =	shalt  }
0x84: {  	_ =	shalt  }
0x85: {  	_ =	shalt  }
0x86: {  	_ =	shalt  }
0x87: {  	_ =	shalt  }
.Lfunc_end0:
.L_simem_size_0:
called_computation.2_lowered:
.L_overlay_start_0:
0x88: {  	s2 =	sld [smem:$0x3FD9]  }
0x89: {  	s3 =	sld [smem:$0x3FFE];
	_ =	sdelay $0x1  }
0x8a: {  	s1 =	srdreg.scid  }
0x8b: {  	s0 =	sand.u32 $0x1, s1  }
0x8c: {  	s14 =	sshll.u32 s0, $0xA;
	s2 =	sadd.s32 s3, s2  }
0x8d: {  	s2 =	sadd.s32 s2, s14  }
0x8e: {  	[smem:$0x3FAE] =	sst s2  }
0x8f: {  	_ = 	snop  }
0x90: {  	s2 =	sld [smem:$0x3FD0];
	_ =	sdelay $0x1  }
0x91: {  	s15 =	sld [smem:$0x3FC7]  }
0x92: {  	s5 =	simm.s32 $0xA;
	s6 =	simm.s32 $0x10;
	s4 =	sld [smem:$0x3FC6]  }
0x93: {  	[smem:s6], [sflag:s5] =	dma.local [hbm:s2], $0x1  }
0x94: {  	_ =	swait.eq [sflag:s5], $0x1  }
0x95: {  	[sflag:s5] =	ssyncset.done $0x0  }
0x96: {  	[sflag:s5] =	ssyncadd.s32 $0xFFFFFFFF  }
0x97: {  	s16 =	sld [smem:$0x10];
	(tm) =	ssettm $0x1  }
0x98: {  	s17 =	sld [smem:$0x3FFB];
	_ =	sdelay $0x3  }
0x99: {  	_ =	strace s17  }
0x9a: {  	s5 =	sld [smem:$0x3FFC];
	_ =	sdelay $0x3  }
0x9b: {  	_ =	strace s5  }
0x9c: {  	s5 =	sld [smem:$0x3FFD];
	_ =	sdelay $0x3  }
0x9d: {  	_ =	strace s5  }
0x9e: {  	_ =	strace $0x8FFFFFFF  }
0x9f: {  	s18 =	sld [smem:$0x3FDB];
	_ =	sdelay $0x1  }
0xa0: {  	s19 =	simm.s32 $_scs_section_size  }
0xa1: {  	s7 =	simm.s32 $_size__tile_overlayer_lowered;
	s8 =	simm.s32 $_tile_overlayer_lowered  }
0xa2: {  	s22 =	simm.s32 $0x1BFF;
	s21 =	sshll.u32 s8, $0x1;
	s5 =	sadd.s32 s19, s18  }
0xa3: {  	s9 =	simm.s32 $0x0;
	s20 =	sshll.u32 s7, $0x1;
	s7 =	sadd.s32 s21, s5  }
0xa4: {  	[timem:s9], [sflag:s22] =	dma.local [hbm:s7], s20  }
0xa5: {  	_ =	swait.ge [sflag:s22], s20  }
0xa6: {  	s6 =	ssub.s32 $0x0, s20;
	[sflag:s22] =	ssyncset.done $0x0  }
0xa7: {  	[sflag:s22] =	ssyncadd.s32 s6;
	_ =	sdelay $0x1  }
0xa8: {  	s23 =	simm.s32 $0x1B8B  }
0xa9: {  	_ =	swait.ge [sflag:s23], $0x1  }
0xaa: {  	[sflag:s23] =	ssyncset.done $0x0  }
0xab: {  	s25 =	simm.s32 $0x1B8E;
	s24 =	sld [smem:$0x3FFE];
	[sflag:s23] =	ssyncadd.s32 $0xFFFFFFFF  }
0xac: {  	s26 =	simm.s32 $execute0_lowered;
	[smem:$0x3FD2] =	sst s25  }
0xad: {  	s7 =	sshll.u32 s26, $0x1;
	_ =	strace $0x8000004C;
	[dreg:$0x1] =	wrdreg $0xFFFFFFFF  }
0xae: {  	s28 =	simm.s32 $_size_execute0_lowered;
	s5 =	sadd.s32 s5, s7;
	[dreg:$0x0] =	wrdreg $0x0  }
0xaf: {  	s7 =	sshll.u32 s28, $0x1;
	[dreg:$0x2] =	wrdreg s5  }
0xb0: {  	[dreg:$0x3] =	wrdreg s7  }
0xb1: {  	[dreg:$0x4] =	wrdreg $0xC0  }
0xb2: {  	_ =	task [dreg:s9], $0x5FFFF  }
0xb3: {  	[dreg:$0x1] =	wrdreg $0xFFFFFFFF  }
0xb4: {  	[dreg:$0x0] =	wrdreg $0x60  }
0xb5: {  	[dreg:$0x2] =	wrdreg s16  }
0xb6: {  	[dreg:$0x3] =	wrdreg s15  }
0xb7: {  	[dreg:$0x4] =	wrdreg s4  }
0xb8: {  	[dreg:$0x5] =	wrdreg s24  }
0xb9: {  	[dreg:$0x6] =	wrdreg $0x9  }
0xba: {  	_ =	task.clear_ibuf [dreg:s9], $0x7FFFF;
	_ =	strace $0x9000004C  }
0xbb: {  	s29 =	simm.s32 $0x9;
	_ =	strace $0x8000004E  }
0xbc: {  	_ =	swait.ge [sflag:s29], $0x1  }
0xbd: {  	[sflag:s29] =	ssyncadd.s32 $0xFFFFFFFF  }
0xbe: {  	_ =	strace $0x9000004E  }
0xbf: {  	_ =	sfence  }
0xc0: {  	s30 =	sld [smem:$0x0];
	_ =	sdelay $0x2  }
0xc1: {  	s31 =	sshll.u32 s1, $0xD;
	s1 =	sshrl.u32 s1, $0x2  }
0xc2: {  	s3 =	sand.u32 $0x4000, s31;
	s1 =	sadd.s32 s1, s30  }
0xc3: {  	s0 =	sor.u32 s3, s0;
	s1 =	sshll.u32 s1, $0x11  }
0xc4: {  	s0 =	sor.u32 s1, s0  }
0xc5: {  	s0 =	sadd.s32 $0x8F2B, s0  }
0xc6: {  	[sflag:s0] =	ssyncadd.remote.s32 $0x1  }
0xc7: {  	_ =	sfence.sel $0xFFFF  }
0xc8: {  	[dreg:$0x0] =	wrdreg $0xFFFFFFFF;
	(pc) =	sbr.abs _section_cstart, $3  }
0xc9: {  	[dreg:$0x1] =	wrdreg $0xFFFFFFFF  }
0xca: {  	_ =	task.clear_ibuf [dreg:s9], $0x2FFFF;
	_ =	strace $0x9FFFFFFF  }
0xcb: {  	(tm) =	ssettm $0x7FFFFFFF  }
tec
execute0_lowered:
.L_overlay_start_1:
0x0: {  	(tag) =	ssettag $0x1  }
0x1: {  	s1 =	rddreg [dreg:$0x0]  }
0x2: {  	s8 =	rddreg [dreg:$0x1]  }
0x3: {  	s7 =	rddreg [dreg:$0x2];
	s0 =	stileid.u32  }
0x4: {  	s2 =	srdreg.scid;
	s4 =	rddreg [dreg:$0x3];
	s3 =	simm.s32 $0x0  }
0x5: {  	s13 =	simm.s32 $0x2900;
	s14 =	simm.s32 $0x1;
	s15 =	simm.s32 $0x2  }
0x6: {  	s16 =	simm.s32 $0x3;
	s17 =	simm.s32 $0x4;
	s5 =	smul.u32 $0x4E200, s0  }
0x7: {  	s18 =	simm.s32 $0x0;
	s6 =	sand.u32 $0x1, s2;
	s11 =	smul.u32 $0x4E20, s0  }
0x8: {  	s2 =	rddreg [dreg:$0x4];
	s9 =	smul.u32 $0x27100, s6;
	s10 =	ssub.s32 $0x2, s6  }
0x9: {  	[smem:$0x7FF] =	sst s3;
	s6 =	smul.u32 $0x2710, s6;
	s12 =	sshrl.u32 s10, $0x1  }
0xa: {  	_ =	strace $0x8000004D;
	s5 =	sadd.s32 s5, s4;
	s29 =	ssub.s32 s10, s12  }
0xb: {  	s9 =	sadd.s32 s9, s5;
	s30 =	sadd.s32 s6, s11;
	s10 =	simm.s32 $0x80  }
0xc: {  	s11 =	simm.s32 $0x50;
	s12 =	simm.s32 $0x100;
	s4 =	smax.u32 s29, $0x1  }
0xd: {  	s5 =	sadd.s32 $0x6800, s9;
	s6 =	sadd.s32 $0x4E8800, s9;
	s31 =	sshrl.u32 s30, $0x3  }
0xe: {  	s9 =	simm.s32 $0x5;
	s7 =	sadd.s32 s31, s7;
	s8 =	sadd.s32 s31, s8  }
.LBB2_1:
0xf: {  	s19 =	sadd.s32 $0x0, s8  }
0x10: {  	[tilespmem:s3], [sflag:$0x5] =	stream.linear.gather [hbm4b:s19+s3], $0x50, $0x38;
	[tilespmem:$0x5100] =	vst v63  }
0x11: {  	_ =	swait.ge [sflag:s9], $0x50  }
0x12: {  	[sflag:s9] =	ssyncset.done $0x0  }
0x13: {  	s31 =	sadd.s32 $0x0, s7;
	[sflag:s9] =	ssyncadd.s32 $0xFFFFFFB0  }
0x14: {  	[tilespmem:s10], [sflag:$0x5] =	stream.linear.gather [hbm4b:s31+s3], $0x50, $0x38;
	[tilespmem:$0x5100] =	vst v63  }
0x15: {  	_ =	swait.ge [sflag:s9], $0x50  }
0x16: {  	[sflag:s9] =	ssyncset.done $0x0  }
0x17: {  	[sflag:s9] =	ssyncadd.s32 $0xFFFFFFB0  }
0x18: {  	[tilespmem:s12], [sflag:$0x1] =	stream.indirect.gather [hbm4b:s1+s11], $0x80, s3, s11, $0xb8;
	[tilespmem:$0x5100] =	vst v63  }
0x19: {  	_ = 	snop  }
0x1a: {  	[tilespmem:s13], [sflag:$0x2] =	stream.indirect.gather [hbm4b:s1+s11], $0x80, s10, s11, $0xb8;
	[tilespmem:$0x5100] =	vst v63  }
0x1b: {  	_ =	swait.ge [sflag:s14], $0x2800  }
0x1c: {  	[sflag:s14] =	ssyncset.done $0x0  }
0x1d: {  	[sflag:s14] =	ssyncadd.s32 $0xFFFFD800  }
0x1e: {  	[hbm4b:s5+s3] =	stream.linear.scatter [tilespmem:s12], [sflag:$0x3], $0x2800, $0x38;
	[tilespmem:$0x5100] =	vst v63  }
0x1f: {  	_ =	swait.ge [sflag:s15], $0x2800  }
0x20: {  	[sflag:s15] =	ssyncset.done $0x0  }
0x21: {  	[sflag:s15] =	ssyncadd.s32 $0xFFFFD800  }
0x22: {  	[hbm4b:s6+s3] =	stream.linear.scatter [tilespmem:s13], [sflag:$0x4], $0x2800, $0x38;
	[tilespmem:$0x5100] =	vst v63  }
0x23: {  	_ =	swait.ge [sflag:s16], $0x2800  }
0x24: {  	[sflag:s16] =	ssyncset.done $0x0  }
0x25: {  	[sflag:s16] =	ssyncadd.s32 $0xFFFFD800  }
0x26: {  	s21 =	simm.s32 $0xA;
	s22 =	simm.s32 $0x14;
	_ =	swait.ge [sflag:s17], $0x2800  }
0x27: {  	s20 =	sadd.s32 $0x500, s5;
	s19 =	sadd.s32 $0x500, s6;
	[sflag:s17] =	ssyncset.done $0x0  }
.LBB2_2:
0x28: {  	s23 =	sadd.s32 s21, s8  }
0x29: {  	[sflag:s17] =	ssyncadd.s32 $0xFFFFD800;
	s24 =	smov.u32 s22;
	s25 =	sadd.s32 $0xA, s22  }
0x2a: {  	[tilespmem:s3], [sflag:$0x5] =	stream.linear.gather [hbm4b:s23+s3], $0x50, $0x38;
	[tilespmem:$0x5100] =	vst v63  }
0x2b: {  	p0 =	sne.s32 s22, $0x4D8;
	_ =	swait.ge [sflag:s9], $0x50  }
0x2c: {  	[sflag:s9] =	ssyncset.done $0x0  }
0x2d: {  	s22 =	sadd.s32 s21, s7;
	s21 =	smov.u32 s24;
	[sflag:s9] =	ssyncadd.s32 $0xFFFFFFB0  }
0x2e: {  	[tilespmem:s10], [sflag:$0x5] =	stream.linear.gather [hbm4b:s22+s3], $0x50, $0x38;
	[tilespmem:$0x5100] =	vst v63  }
0x2f: {  	_ =	swait.ge [sflag:s9], $0x50  }
0x30: {  	[sflag:s9] =	ssyncset.done $0x0  }
0x31: {  	[sflag:s9] =	ssyncadd.s32 $0xFFFFFFB0  }
0x32: {  	[tilespmem:s12], [sflag:$0x1] =	stream.indirect.gather [hbm4b:s1+s11], $0x80, s3, s11, $0xb8;
	[tilespmem:$0x5100] =	vst v63  }
0x33: {  	_ = 	snop  }
0x34: {  	[tilespmem:s13], [sflag:$0x2] =	stream.indirect.gather [hbm4b:s1+s11], $0x80, s10, s11, $0xb8;
	[tilespmem:$0x5100] =	vst v63  }
0x35: {  	_ =	swait.ge [sflag:s14], $0x2800  }
0x36: {  	[sflag:s14] =	ssyncset.done $0x0  }
0x37: {  	[sflag:s14] =	ssyncadd.s32 $0xFFFFD800  }
0x38: {  	[hbm4b:s20+s3] =	stream.linear.scatter [tilespmem:s12], [sflag:$0x3], $0x2800, $0x38;
	[tilespmem:$0x5100] =	vst v63  }
0x39: {  	_ =	swait.ge [sflag:s15], $0x2800  }
0x3a: {  	[sflag:s15] =	ssyncset.done $0x0  }
0x3b: {  	[sflag:s15] =	ssyncadd.s32 $0xFFFFD800  }
0x3c: {  	[hbm4b:s19+s3] =	stream.linear.scatter [tilespmem:s13], [sflag:$0x4], $0x2800, $0x38;
	[tilespmem:$0x5100] =	vst v63  }
.Ltmp0:
0x3d: {  	_ =	swait.ge [sflag:s16], $0x2800;
	(pc) =	sbr.rel @p0 .LBB2_2-.Ltmp0, $4  }
0x3e: {  	[sflag:s16] =	ssyncset.done $0x0  }
0x3f: {  	[sflag:s16] =	ssyncadd.s32 $0xFFFFD800  }
0x40: {  	s22 =	smov.u32 s25;
	_ =	swait.ge [sflag:s17], $0x2800  }
0x41: {  	s20 =	sadd.s32 $0x500, s20;
	s19 =	sadd.s32 $0x500, s19;
	[sflag:s17] =	ssyncset.done $0x0  }
0x42: {  	s22 =	sadd.s32 s21, s8;
	[sflag:s17] =	ssyncadd.s32 $0xFFFFD800  }
0x43: {  	[tilespmem:s3], [sflag:$0x5] =	stream.linear.gather [hbm4b:s22+s3], $0x50, $0x38;
	[tilespmem:$0x5100] =	vst v63  }
0x44: {  	_ =	swait.ge [sflag:s9], $0x50  }
0x45: {  	[sflag:s9] =	ssyncset.done $0x0  }
0x46: {  	s31 =	sadd.s32 s21, s7;
	[sflag:s9] =	ssyncadd.s32 $0xFFFFFFB0  }
0x47: {  	[tilespmem:s10], [sflag:$0x5] =	stream.linear.gather [hbm4b:s31+s3], $0x50, $0x38;
	[tilespmem:$0x5100] =	vst v63  }
0x48: {  	_ =	swait.ge [sflag:s9], $0x50  }
0x49: {  	[sflag:s9] =	ssyncset.done $0x0  }
0x4a: {  	[sflag:s9] =	ssyncadd.s32 $0xFFFFFFB0  }
0x4b: {  	[tilespmem:s12], [sflag:$0x1] =	stream.indirect.gather [hbm4b:s1+s11], $0x80, s3, s11, $0xb8;
	[tilespmem:$0x5100] =	vst v63  }
0x4c: {  	_ = 	snop  }
0x4d: {  	[tilespmem:s13], [sflag:$0x2] =	stream.indirect.gather [hbm4b:s1+s11], $0x80, s10, s11, $0xb8;
	[tilespmem:$0x5100] =	vst v63  }
0x4e: {  	_ =	swait.ge [sflag:s14], $0x2800  }
0x4f: {  	[sflag:s14] =	ssyncset.done $0x0  }
0x50: {  	[sflag:s14] =	ssyncadd.s32 $0xFFFFD800  }
0x51: {  	[hbm4b:s20+s3] =	stream.linear.scatter [tilespmem:s12], [sflag:$0x3], $0x2800, $0x38;
	[tilespmem:$0x5100] =	vst v63  }
0x52: {  	_ =	swait.ge [sflag:s15], $0x2800  }
0x53: {  	[sflag:s15] =	ssyncset.done $0x0  }
0x54: {  	s18 =	sadd.s32 $0x1, s18;
	[sflag:s15] =	ssyncadd.s32 $0xFFFFD800  }
0x55: {  	[hbm4b:s19+s3] =	stream.linear.scatter [tilespmem:s13], [sflag:$0x4], $0x2800, $0x38;
	[tilespmem:$0x5100] =	vst v63  }
0x56: {  	p0 =	sne.s32 s18, s4;
	_ =	swait.ge [sflag:s16], $0x2800  }
.Ltmp1:
0x57: {  	[sflag:s16] =	ssyncset.done $0x0;
	(pc) =	sbr.rel @p0 .LBB2_1-.Ltmp1, $4  }
0x58: {  	[sflag:s16] =	ssyncadd.s32 $0xFFFFD800  }
0x59: {  	_ =	swait.ge [sflag:s17], $0x2800  }
0x5a: {  	[sflag:s17] =	ssyncset.done $0x0  }
0x5b: {  	[sflag:s17] =	ssyncadd.s32 $0xFFFFD800  }
0x5c: {  	_ =	sfence.sel $0x180000  }
0x5d: {  	[bflag:$0x0] =	sbarrier.arrive $0xFFFF  }
0x5e: {  	p0 =	sne.s32 s0, $0x0;
	_ =	strace $0x9000004D  }
0x5f: {  	s0 =	sadd.s32 @!p0 $0x100000, s2;
	[bflag:$0x2] =	sbarrier.arrive $0xFFFF  }
0x60: {  	[sflag:s0] =	ssyncadd.tile.s32 @!p0 $0x1;
	_ =	shalt  }
.Lfunc_end2:
_tile_overlayer_lowered:
.L_overlay_start_2:
0x61: {  	(tag) =	ssettag $0x2  }
0x62: {  	s0 =	rddreg [dreg:$0x0];
	s2 =	stileid.u32  }
0x63: {  	s1 =	rddreg [dreg:$0x1];
	p0 =	sne.s32 s2, $0x0  }
0x64: {  	s3 =	rddreg [dreg:$0x2];
	[bflag:$0x3] =	sbarrier.arrive $0xFFFF;
	s2 =	simm.s32 @!p0 $0x1C05  }
0x65: {  	[timem:s3], [sflag:s2] =	dma.local @!p0 [hbm:s0], s1  }
0x66: {  	s0 =	simm.s32 @!p0 $0x5  }
0x67: {  	_ =	swait.ge @!p0 [sflag:s0], s1  }
0x68: {  	s1 =	ssub.s32 @!p0 $0x0, s1;
	[sflag:s0] =	ssyncset.done @!p0 $0x0  }
0x69: {  	[sflag:s0] =	ssyncadd.s32 @!p0 s1  }
0x6a: {  	[bflag:$0x3] =	sbarrier.arrive $0xFFFF  }
0x6b: {  	_ =	shalt  }

// kernel: kernel.8.cloned.1.call-start
scs
__scs_entry_jumppad:
0x0: {  	(pc) =	sbr.rel $0x88, $3  }
0x1: {  	(tag) =	ssettag $0x0;
	lr =	simm.s32 $0x1  }
0x2: {  	[smem:$0x3F87] =	sst lr;
	_ =	strace $0xD0000000  }
0x3: {  	_ = 	snop  }
0x4: {  	_ = 	snop  }
0x5: {  	_ = 	snop  }
0x6: {  	_ = 	snop  }
0x7: {  	_ = 	snop  }
__scs_overlays_trampoline_lowered:
0x8: {  	[smem:$0x3F96] =	sst s0  }
0x9: {  	[smem:$0x3F97] =	sst s1  }
0xa: {  	[smem:$0x3F98] =	sst s2  }
0xb: {  	[smem:$0x3F99] =	sst s3  }
0xc: {  	[smem:$0x3F9A] =	sst s4  }
0xd: {  	[smem:$0x3F9B] =	sst s5  }
0xe: {  	[smem:$0x3F9C] =	sst s6  }
0xf: {  	[smem:$0x3F9D] =	sst s7  }
0x10: {  	[smem:$0x3F9E] =	sst s8  }
0x11: {  	[smem:$0x3F9F] =	sst s9;
	s0 =	simm.s32 @!p0 $0x0  }
0x12: {  	s1 =	sld [smem:$0x3F85];
	s0 =	simm.s32 @p0 $0x1  }
0x13: {  	[smem:$0x3FA0] =	sst s0;
	s0 =	simm.s32 @!p1 $0x0  }
0x14: {  	s2 =	sld [smem:$0x3F84];
	s0 =	simm.s32 @p1 $0x1  }
0x15: {  	[smem:$0x3FA1] =	sst s0;
	s0 =	simm.s32 @!p2 $0x0  }
0x16: {  	s3 =	sld [smem:$0x3FDB];
	s0 =	simm.s32 @p2 $0x1  }
0x17: {  	s4 =	simm.s32 $0x1BF5;
	[smem:$0x3FA3] =	sst s0  }
0x18: {  	s0 =	sld [smem:$0x3F86];
	_ =	swait.ge [sflag:s4], $0x0  }
0x19: {  	s7 =	sld [smem:$0x3F87]  }
0x1a: {  	s8 =	sadd.s32 $0xFFFFE003, lr  }
0x1b: {  	s9 =	sadd.s32 $0xFFFFFEF7, lr;
	s5 =	simm.s32 $0xFFFFFFFF;
	p2 =	slt.u32 s8, $0xFFFFF086  }
0x1c: {  	p1 =	slt.u32 s9, $0xF7A;
	s5 =	simm.s32 @!p2 $0x0  }
0x1d: {  	s5 =	simm.s32 @p1 $0x1;
	p0 =	seq.s32 s7, s2  }
0x1e: {  	s7 =	smul.u32 @!p0 $0xF7A, s2;
	p2 =	seq.s32 @!p0 s5, $0x0  }
0x1f: {  	s9 =	smul.u32 $0xF7A, s1;
	s8 =	simm.s32 @!p0 $0x1BF5;
	p2 =	por !p2, p0  }
0x20: {  	[sflag:s8] =	ssyncset.s32 @!p0 $0xFFFFF086;
	s6 =	sadd.s32 @!p0 s3, s7;
	s7 =	simm.s32 @!p0 $0x108  }
0x21: {  	s3 =	sadd.s32 s3, s9;
	s6 =	sadd.s32 @!p0 $0x88, s6;
	s7 =	simm.s32 @p2 $0x1082  }
0x22: {  	[simem:s7], [sflag:s8] =	dma.local @!p0 [hbm:s6], $0xF7A  }
0x23: {  	s9 =	sor.u32 $0xD0000000, s2;
	s6 =	simm.s32 $0x108;
	_ =	swait.ge @!p0 [sflag:s8], $0x0  }
0x24: {  	s3 =	sadd.s32 $0x88, s3;
	s6 =	simm.s32 @!p1 $0x1082;
	[sflag:s4] =	ssyncset.s32 $0xFFFFF086  }
0x25: {  	[simem:s6], [sflag:s4] =	dma.local [hbm:s3], $0xF7A  }
0x26: {  	[smem:$0x3F87] =	sst s1;
	(tag) =	ssettag s2;
	_ =	strace s9  }
0x27: {  	s1 =	sld [smem:$0x3F97]  }
0x28: {  	s2 =	sld [smem:$0x3F98]  }
0x29: {  	s4 =	sld [smem:$0x3F9A]  }
0x2a: {  	p0 =	seq.s32 s5, $0x0;
	s5 =	sld [smem:$0x3F9B]  }
0x2b: {  	s6 =	sld [smem:$0x3F9C]  }
0x2c: {  	s7 =	sld [smem:$0x3F9D]  }
0x2d: {  	s3 =	simm.s32 $0x108;
	s8 =	sld [smem:$0x3F9E]  }
0x2e: {  	s3 =	simm.s32 @!p0 $0x1082;
	s9 =	sld [smem:$0x3F9F]  }
0x2f: {  	lr =	sadd.s32 s0, s3;
	s0 =	sld [smem:$0x3F96]  }
0x30: {  	s3 =	sld [smem:$0x3F99]  }
0x31: {  	[smem:$0x3FA2] =	sst s10  }
0x32: {  	s10 =	sld [smem:$0x3FA0];
	_ =	sdelay $0x3  }
0x33: {  	p0 =	seq.s32 s10, $0x1;
	s10 =	sld [smem:$0x3FA2];
	_ =	sdelay $0x3  }
0x34: {  	[smem:$0x3FA2] =	sst s10  }
0x35: {  	s10 =	sld [smem:$0x3FA1];
	_ =	sdelay $0x3  }
0x36: {  	p1 =	seq.s32 s10, $0x1;
	s10 =	sld [smem:$0x3FA2];
	_ =	sdelay $0x3  }
0x37: {  	[smem:$0x3FA2] =	sst s10  }
0x38: {  	s10 =	sld [smem:$0x3FA3]  }
0x39: {  	_ = 	snop;
	(pc) =	sbr.ind lr, $3  }
0x3a: {  	_ = 	snop  }
0x3b: {  	_ = 	snop  }
0x3c: {  	p2 =	seq.s32 s10, $0x1;
	s10 =	sld [smem:$0x3FA2]  }
0x3d: {  	_ =	shalt  }
0x3e: {  	_ =	shalt  }
0x3f: {  	_ =	shalt  }
0x40: {  	_ =	shalt  }
0x41: {  	_ =	shalt  }
0x42: {  	_ =	shalt  }
0x43: {  	_ =	shalt  }
0x44: {  	_ =	shalt  }
0x45: {  	_ =	shalt  }
0x46: {  	_ =	shalt  }
0x47: {  	_ =	shalt  }
0x48: {  	_ =	shalt  }
0x49: {  	_ =	shalt  }
0x4a: {  	_ =	shalt  }
0x4b: {  	_ =	shalt  }
0x4c: {  	_ =	shalt  }
0x4d: {  	_ =	shalt  }
0x4e: {  	_ =	shalt  }
0x4f: {  	_ =	shalt  }
0x50: {  	_ =	shalt  }
0x51: {  	_ =	shalt  }
0x52: {  	_ =	shalt  }
0x53: {  	_ =	shalt  }
0x54: {  	_ =	shalt  }
0x55: {  	_ =	shalt  }
0x56: {  	_ =	shalt  }
0x57: {  	_ =	shalt  }
0x58: {  	_ =	shalt  }
0x59: {  	_ =	shalt  }
0x5a: {  	_ =	shalt  }
0x5b: {  	_ =	shalt  }
0x5c: {  	_ =	shalt  }
0x5d: {  	_ =	shalt  }
0x5e: {  	_ =	shalt  }
0x5f: {  	_ =	shalt  }
0x60: {  	_ =	shalt  }
0x61: {  	_ =	shalt  }
0x62: {  	_ =	shalt  }
0x63: {  	_ =	shalt  }
0x64: {  	_ =	shalt  }
0x65: {  	_ =	shalt  }
0x66: {  	_ =	shalt  }
0x67: {  	_ =	shalt  }
0x68: {  	_ =	shalt  }
0x69: {  	_ =	shalt  }
0x6a: {  	_ =	shalt  }
0x6b: {  	_ =	shalt  }
0x6c: {  	_ =	shalt  }
0x6d: {  	_ =	shalt  }
0x6e: {  	_ =	shalt  }
0x6f: {  	_ =	shalt  }
0x70: {  	_ =	shalt  }
0x71: {  	_ =	shalt  }
0x72: {  	_ =	shalt  }
0x73: {  	_ =	shalt  }
0x74: {  	_ =	shalt  }
0x75: {  	_ =	shalt  }
0x76: {  	_ =	shalt  }
0x77: {  	_ =	shalt  }
0x78: {  	_ =	shalt  }
0x79: {  	_ =	shalt  }
0x7a: {  	_ =	shalt  }
0x7b: {  	_ =	shalt  }
0x7c: {  	_ =	shalt  }
0x7d: {  	_ =	shalt  }
0x7e: {  	_ =	shalt  }
0x7f: {  	_ =	shalt  }
0x80: {  	_ =	shalt  }
0x81: {  	_ =	shalt  }
0x82: {  	_ =	shalt  }
0x83: {  	_ =	shalt  }
0x84: {  	_ =	shalt  }
0x85: {  	_ =	shalt  }
0x86: {  	_ =	shalt  }
0x87: {  	_ =	shalt  }
.Lfunc_end0:
.L_simem_size_0:
called_computation_lowered:
.L_overlay_start_0:
0x88: {  	s2 =	sld [smem:$0x3FD9]  }
0x89: {  	s3 =	sld [smem:$0x3FFE];
	_ =	sdelay $0x1  }
0x8a: {  	s1 =	srdreg.scid  }
0x8b: {  	s0 =	sand.u32 $0x1, s1  }
0x8c: {  	s17 =	sshll.u32 s0, $0xA;
	s2 =	sadd.s32 s3, s2  }
0x8d: {  	s2 =	sadd.s32 s2, s17  }
0x8e: {  	[smem:$0x3FAE] =	sst s2  }
0x8f: {  	_ = 	snop  }
0x90: {  	s2 =	sld [smem:$0x3FC9]  }
0x91: {  	s18 =	sld [smem:$0x3FC7]  }
0x92: {  	s4 =	sld [smem:$0x3FC6];
	(tm) =	ssettm $0x1  }
0x93: {  	s5 =	sld [smem:$0x3FFB];
	_ =	sdelay $0x3  }
0x94: {  	_ =	strace s5  }
0x95: {  	s5 =	sld [smem:$0x3FFC];
	_ =	sdelay $0x3  }
0x96: {  	_ =	strace s5  }
0x97: {  	s5 =	sld [smem:$0x3FFD];
	_ =	sdelay $0x3  }
0x98: {  	_ =	strace s5  }
0x99: {  	_ =	strace $0x8FFFFFFF  }
0x9a: {  	s19 =	sld [smem:$0x3FDB];
	_ =	sdelay $0x1  }
0x9b: {  	s6 =	simm.s32 $_scs_section_size  }
0x9c: {  	s7 =	simm.s32 $_size__tile_overlayer_lowered;
	s8 =	simm.s32 $_tile_overlayer_lowered  }
0x9d: {  	s22 =	simm.s32 $0x1BFF;
	s21 =	sshll.u32 s8, $0x1;
	s5 =	sadd.s32 s6, s19  }
0x9e: {  	s9 =	simm.s32 $0x0;
	s20 =	sshll.u32 s7, $0x1;
	s7 =	sadd.s32 s21, s5  }
0x9f: {  	[timem:s9], [sflag:s22] =	dma.local [hbm:s7], s20  }
0xa0: {  	_ =	swait.ge [sflag:s22], s20  }
0xa1: {  	s6 =	ssub.s32 $0x0, s20;
	[sflag:s22] =	ssyncset.done $0x0  }
0xa2: {  	[sflag:s22] =	ssyncadd.s32 s6;
	_ =	sdelay $0x1  }
0xa3: {  	s23 =	simm.s32 $0x1B8B  }
0xa4: {  	_ =	swait.ge [sflag:s23], $0x1  }
0xa5: {  	[sflag:s23] =	ssyncset.done $0x0  }
0xa6: {  	s25 =	simm.s32 $0x1B8E;
	s24 =	sld [smem:$0x3FFE];
	[sflag:s23] =	ssyncadd.s32 $0xFFFFFFFF  }
0xa7: {  	s26 =	simm.s32 $execute0_lowered;
	[smem:$0x3FD2] =	sst s25  }
0xa8: {  	s7 =	sshll.u32 s26, $0x1;
	_ =	strace $0x80000046;
	[dreg:$0x1] =	wrdreg $0xFFFFFFFF  }
0xa9: {  	s28 =	simm.s32 $_size_execute0_lowered;
	s5 =	sadd.s32 s5, s7;
	[dreg:$0x0] =	wrdreg $0x0  }
0xaa: {  	s7 =	sshll.u32 s28, $0x1;
	[dreg:$0x2] =	wrdreg s5  }
0xab: {  	[dreg:$0x3] =	wrdreg s7  }
0xac: {  	[dreg:$0x4] =	wrdreg $0xC0  }
0xad: {  	_ =	task [dreg:s9], $0x5FFFF  }
0xae: {  	[dreg:$0x1] =	wrdreg $0xFFFFFFFF  }
0xaf: {  	[dreg:$0x0] =	wrdreg $0x60  }
0xb0: {  	[dreg:$0x2] =	wrdreg s2  }
0xb1: {  	[dreg:$0x3] =	wrdreg s18  }
0xb2: {  	[dreg:$0x4] =	wrdreg s4  }
0xb3: {  	[dreg:$0x5] =	wrdreg s24  }
0xb4: {  	[dreg:$0x6] =	wrdreg $0x9  }
0xb5: {  	_ =	task.clear_ibuf [dreg:s9], $0x7FFFF;
	_ =	strace $0x90000046  }
0xb6: {  	s29 =	simm.s32 $0x9;
	_ =	strace $0x80000048  }
0xb7: {  	_ =	swait.ge [sflag:s29], $0x1  }
0xb8: {  	[sflag:s29] =	ssyncadd.s32 $0xFFFFFFFF  }
0xb9: {  	_ =	strace $0x90000048  }
0xba: {  	_ =	sfence  }
0xbb: {  	s30 =	sld [smem:$0x0];
	_ =	sdelay $0x2  }
0xbc: {  	s31 =	sshll.u32 s1, $0xD;
	s1 =	sshrl.u32 s1, $0x2  }
0xbd: {  	s3 =	sand.u32 $0x4000, s31;
	s1 =	sadd.s32 s1, s30  }
0xbe: {  	s0 =	sor.u32 s3, s0;
	s1 =	sshll.u32 s1, $0x11  }
0xbf: {  	s0 =	sor.u32 s1, s0  }
0xc0: {  	s0 =	sadd.s32 $0x8F2B, s0  }
0xc1: {  	[sflag:s0] =	ssyncadd.remote.s32 $0x1  }
0xc2: {  	_ =	sfence.sel $0xFFFF  }
0xc3: {  	[dreg:$0x0] =	wrdreg $0xFFFFFFFF;
	(pc) =	sbr.abs _section_cstart, $3  }
0xc4: {  	[dreg:$0x1] =	wrdreg $0xFFFFFFFF  }
0xc5: {  	_ =	task.clear_ibuf [dreg:s9], $0x2FFFF;
	_ =	strace $0x9FFFFFFF  }
0xc6: {  	(tm) =	ssettm $0x7FFFFFFF  }
0xc7: {  	_ =	shalt  }
tec
execute0_lowered:
.L_overlay_start_1:
0x0: {  	(tag) =	ssettag $0x1  }
0x1: {  	s1 =	rddreg [dreg:$0x0]  }
0x2: {  	s8 =	rddreg [dreg:$0x1]  }
0x3: {  	s7 =	rddreg [dreg:$0x2];
	s0 =	stileid.u32  }
0x4: {  	s2 =	srdreg.scid;
	s4 =	rddreg [dreg:$0x3];
	s3 =	simm.s32 $0x0  }
0x5: {  	s13 =	simm.s32 $0x2900;
	s14 =	simm.s32 $0x1;
	s15 =	simm.s32 $0x2  }
0x6: {  	s16 =	simm.s32 $0x3;
	s17 =	simm.s32 $0x4;
	s5 =	smul.u32 $0x4E200, s0  }
0x7: {  	s18 =	simm.s32 $0x0;
	s6 =	sand.u32 $0x1, s2;
	s11 =	smul.u32 $0x4E20, s0  }
0x8: {  	s2 =	rddreg [dreg:$0x4];
	s9 =	smul.u32 $0x27100, s6;
	s10 =	ssub.s32 $0x2, s6  }
0x9: {  	[smem:$0x7FF] =	sst s3;
	s6 =	smul.u32 $0x2710, s6;
	s12 =	sshrl.u32 s10, $0x1  }
0xa: {  	_ =	strace $0x80000047;
	s5 =	sadd.s32 s5, s4;
	s29 =	ssub.s32 s10, s12  }
0xb: {  	s9 =	sadd.s32 s9, s5;
	s30 =	sadd.s32 s6, s11;
	s10 =	simm.s32 $0x80  }
0xc: {  	s11 =	simm.s32 $0x50;
	s12 =	simm.s32 $0x100;
	s4 =	smax.u32 s29, $0x1  }
0xd: {  	s5 =	sadd.s32 $0x6800, s9;
	s6 =	sadd.s32 $0x4E8800, s9;
	s31 =	sshrl.u32 s30, $0x3  }
0xe: {  	s9 =	simm.s32 $0x5;
	s7 =	sadd.s32 s31, s7;
	s8 =	sadd.s32 s31, s8  }
.LBB2_1:
0xf: {  	s19 =	sadd.s32 $0x0, s8  }
0x10: {  	[tilespmem:s3], [sflag:$0x5] =	stream.linear.gather [hbm4b:s19+s3], $0x50, $0x38;
	[tilespmem:$0x5100] =	vst v63  }
0x11: {  	_ =	swait.ge [sflag:s9], $0x50  }
0x12: {  	[sflag:s9] =	ssyncset.done $0x0  }
0x13: {  	s31 =	sadd.s32 $0x0, s7;
	[sflag:s9] =	ssyncadd.s32 $0xFFFFFFB0  }
0x14: {  	[tilespmem:s10], [sflag:$0x5] =	stream.linear.gather [hbm4b:s31+s3], $0x50, $0x38;
	[tilespmem:$0x5100] =	vst v63  }
0x15: {  	_ =	swait.ge [sflag:s9], $0x50  }
0x16: {  	[sflag:s9] =	ssyncset.done $0x0  }
0x17: {  	[sflag:s9] =	ssyncadd.s32 $0xFFFFFFB0  }
0x18: {  	[tilespmem:s12], [sflag:$0x1] =	stream.indirect.gather [hbm4b:s1+s11], $0x80, s3, s11, $0xb8;
	[tilespmem:$0x5100] =	vst v63  }
0x19: {  	_ = 	snop  }
0x1a: {  	[tilespmem:s13], [sflag:$0x2] =	stream.indirect.gather [hbm4b:s1+s11], $0x80, s10, s11, $0xb8;
	[tilespmem:$0x5100] =	vst v63  }
0x1b: {  	_ =	swait.ge [sflag:s14], $0x2800  }
0x1c: {  	[sflag:s14] =	ssyncset.done $0x0  }
0x1d: {  	[sflag:s14] =	ssyncadd.s32 $0xFFFFD800  }
0x1e: {  	[hbm4b:s5+s3] =	stream.linear.scatter [tilespmem:s12], [sflag:$0x3], $0x2800, $0x38;
	[tilespmem:$0x5100] =	vst v63  }
0x1f: {  	_ =	swait.ge [sflag:s15], $0x2800  }
0x20: {  	[sflag:s15] =	ssyncset.done $0x0  }
0x21: {  	[sflag:s15] =	ssyncadd.s32 $0xFFFFD800  }
0x22: {  	[hbm4b:s6+s3] =	stream.linear.scatter [tilespmem:s13], [sflag:$0x4], $0x2800, $0x38;
	[tilespmem:$0x5100] =	vst v63  }
0x23: {  	_ =	swait.ge [sflag:s16], $0x2800  }
0x24: {  	[sflag:s16] =	ssyncset.done $0x0  }
0x25: {  	[sflag:s16] =	ssyncadd.s32 $0xFFFFD800  }
0x26: {  	s21 =	simm.s32 $0xA;
	s22 =	simm.s32 $0x14;
	_ =	swait.ge [sflag:s17], $0x2800  }
0x27: {  	s20 =	sadd.s32 $0x500, s5;
	s19 =	sadd.s32 $0x500, s6;
	[sflag:s17] =	ssyncset.done $0x0  }
.LBB2_2:
0x28: {  	s23 =	sadd.s32 s21, s8  }
0x29: {  	[sflag:s17] =	ssyncadd.s32 $0xFFFFD800;
	s24 =	smov.u32 s22;
	s25 =	sadd.s32 $0xA, s22  }
0x2a: {  	[tilespmem:s3], [sflag:$0x5] =	stream.linear.gather [hbm4b:s23+s3], $0x50, $0x38;
	[tilespmem:$0x5100] =	vst v63  }
0x2b: {  	p0 =	sne.s32 s22, $0x4D8;
	_ =	swait.ge [sflag:s9], $0x50  }
0x2c: {  	[sflag:s9] =	ssyncset.done $0x0  }
0x2d: {  	s22 =	sadd.s32 s21, s7;
	s21 =	smov.u32 s24;
	[sflag:s9] =	ssyncadd.s32 $0xFFFFFFB0  }
0x2e: {  	[tilespmem:s10], [sflag:$0x5] =	stream.linear.gather [hbm4b:s22+s3], $0x50, $0x38;
	[tilespmem:$0x5100] =	vst v63  }
0x2f: {  	_ =	swait.ge [sflag:s9], $0x50  }
0x30: {  	[sflag:s9] =	ssyncset.done $0x0  }
0x31: {  	[sflag:s9] =	ssyncadd.s32 $0xFFFFFFB0  }
0x32: {  	[tilespmem:s12], [sflag:$0x1] =	stream.indirect.gather [hbm4b:s1+s11], $0x80, s3, s11, $0xb8;
	[tilespmem:$0x5100] =	vst v63  }
0x33: {  	_ = 	snop  }
0x34: {  	[tilespmem:s13], [sflag:$0x2] =	stream.indirect.gather [hbm4b:s1+s11], $0x80, s10, s11, $0xb8;
	[tilespmem:$0x5100] =	vst v63  }
0x35: {  	_ =	swait.ge [sflag:s14], $0x2800  }
0x36: {  	[sflag:s14] =	ssyncset.done $0x0  }
0x37: {  	[sflag:s14] =	ssyncadd.s32 $0xFFFFD800  }
0x38: {  	[hbm4b:s20+s3] =	stream.linear.scatter [tilespmem:s12], [sflag:$0x3], $0x2800, $0x38;
	[tilespmem:$0x5100] =	vst v63  }
0x39: {  	_ =	swait.ge [sflag:s15], $0x2800  }
0x3a: {  	[sflag:s15] =	ssyncset.done $0x0  }
0x3b: {  	[sflag:s15] =	ssyncadd.s32 $0xFFFFD800  }
0x3c: {  	[hbm4b:s19+s3] =	stream.linear.scatter [tilespmem:s13], [sflag:$0x4], $0x2800, $0x38;
	[tilespmem:$0x5100] =	vst v63  }
.Ltmp0:
0x3d: {  	_ =	swait.ge [sflag:s16], $0x2800;
	(pc) =	sbr.rel @p0 .LBB2_2-.Ltmp0, $4  }
0x3e: {  	[sflag:s16] =	ssyncset.done $0x0  }
0x3f: {  	[sflag:s16] =	ssyncadd.s32 $0xFFFFD800  }
0x40: {  	s22 =	smov.u32 s25;
	_ =	swait.ge [sflag:s17], $0x2800  }
0x41: {  	s20 =	sadd.s32 $0x500, s20;
	s19 =	sadd.s32 $0x500, s19;
	[sflag:s17] =	ssyncset.done $0x0  }
0x42: {  	s22 =	sadd.s32 s21, s8;
	[sflag:s17] =	ssyncadd.s32 $0xFFFFD800  }
0x43: {  	[tilespmem:s3], [sflag:$0x5] =	stream.linear.gather [hbm4b:s22+s3], $0x50, $0x38;
	[tilespmem:$0x5100] =	vst v63  }
0x44: {  	_ =	swait.ge [sflag:s9], $0x50  }
0x45: {  	[sflag:s9] =	ssyncset.done $0x0  }
0x46: {  	s31 =	sadd.s32 s21, s7;
	[sflag:s9] =	ssyncadd.s32 $0xFFFFFFB0  }
0x47: {  	[tilespmem:s10], [sflag:$0x5] =	stream.linear.gather [hbm4b:s31+s3], $0x50, $0x38;
	[tilespmem:$0x5100] =	vst v63  }
0x48: {  	_ =	swait.ge [sflag:s9], $0x50  }
0x49: {  	[sflag:s9] =	ssyncset.done $0x0  }
0x4a: {  	[sflag:s9] =	ssyncadd.s32 $0xFFFFFFB0  }
0x4b: {  	[tilespmem:s12], [sflag:$0x1] =	stream.indirect.gather [hbm4b:s1+s11], $0x80, s3, s11, $0xb8;
	[tilespmem:$0x5100] =	vst v63  }
0x4c: {  	_ = 	snop  }
0x4d: {  	[tilespmem:s13], [sflag:$0x2] =	stream.indirect.gather [hbm4b:s1+s11], $0x80, s10, s11, $0xb8;
	[tilespmem:$0x5100] =	vst v63  }
0x4e: {  	_ =	swait.ge [sflag:s14], $0x2800  }
0x4f: {  	[sflag:s14] =	ssyncset.done $0x0  }
0x50: {  	[sflag:s14] =	ssyncadd.s32 $0xFFFFD800  }
0x51: {  	[hbm4b:s20+s3] =	stream.linear.scatter [tilespmem:s12], [sflag:$0x3], $0x2800, $0x38;
	[tilespmem:$0x5100] =	vst v63  }
0x52: {  	_ =	swait.ge [sflag:s15], $0x2800  }
0x53: {  	[sflag:s15] =	ssyncset.done $0x0  }
0x54: {  	s18 =	sadd.s32 $0x1, s18;
	[sflag:s15] =	ssyncadd.s32 $0xFFFFD800  }
0x55: {  	[hbm4b:s19+s3] =	stream.linear.scatter [tilespmem:s13], [sflag:$0x4], $0x2800, $0x38;
	[tilespmem:$0x5100] =	vst v63  }
0x56: {  	p0 =	sne.s32 s18, s4;
	_ =	swait.ge [sflag:s16], $0x2800  }
.Ltmp1:
0x57: {  	[sflag:s16] =	ssyncset.done $0x0;
	(pc) =	sbr.rel @p0 .LBB2_1-.Ltmp1, $4  }
0x58: {  	[sflag:s16] =	ssyncadd.s32 $0xFFFFD800  }
0x59: {  	_ =	swait.ge [sflag:s17], $0x2800  }
0x5a: {  	[sflag:s17] =	ssyncset.done $0x0  }
0x5b: {  	[sflag:s17] =	ssyncadd.s32 $0xFFFFD800  }
0x5c: {  	_ =	sfence.sel $0x180000  }
0x5d: {  	[bflag:$0x0] =	sbarrier.arrive $0xFFFF  }
0x5e: {  	p0 =	sne.s32 s0, $0x0;
	_ =	strace $0x90000047  }
0x5f: {  	s0 =	sadd.s32 @!p0 $0x100000, s2;
	[bflag:$0x2] =	sbarrier.arrive $0xFFFF  }
0x60: {  	[sflag:s0] =	ssyncadd.tile.s32 @!p0 $0x1;
	_ =	shalt  }
.Lfunc_end2:
_tile_overlayer_lowered:
.L_overlay_start_2:
0x61: {  	(tag) =	ssettag $0x2  }
0x62: {  	s0 =	rddreg [dreg:$0x0];
	s2 =	stileid.u32  }
0x63: {  	s1 =	rddreg [dreg:$0x1];
	p0 =	sne.s32 s2, $0x0  }
0x64: {  	s3 =	rddreg [dreg:$0x2];
	[bflag:$0x3] =	sbarrier.arrive $0xFFFF;
	s2 =	simm.s32 @!p0 $0x1C05  }
0x65: {  	[timem:s3], [sflag:s2] =	dma.local @!p0 [hbm:s0], s1  }
0x66: {  	s0 =	simm.s32 @!p0 $0x5  }
0x67: {  	_ =	swait.ge @!p0 [sflag:s0], s1  }
0x68: {  	s1 =	ssub.s32 @!p0 $0x0, s1;
	[sflag:s0] =	ssyncset.done @!p0 $0x0  }
0x69: {  	[sflag:s0] =	ssyncadd.s32 @!p0 s1  }
0x6a: {  	[bflag:$0x3] =	sbarrier.arrive $0xFFFF  }
0x6b: {  	_ =	shalt  }

</sc_bundles>
